<compile_context>
chip_gen: v7x
topology: tpu7x:2x2x1
jax: 0.10.2.dev20260603
libtpu: 0.0.44.dev20260713+nightly
codegen_flags: <defaults>
</compile_context>

<pallas_src>
import functools

import jax
import jax.numpy as jnp
from jax import lax
from jax.experimental import pallas as pl
from jax.experimental.pallas import tpu as pltpu
from jax.experimental.pallas import tpu_sc as plsc

N_NODES = 100000
EMB_DIM = 128
NUM_EMB = 119
NBUF = 3
WINDOW = 200
NUM_MAIN = 15
SMALL_A = 128
SMALL_B = 120
NUM_WORKERS = 32
NB = NUM_MAIN + 1
STAGE_ROWS = 8


def kernel(x, table):
    idx = x.reshape(N_NODES).astype(jnp.int32)
    mesh = plsc.VectorSubcoreMesh(core_axis_name="c", subcore_axis_name="s")

    @functools.partial(
        pl.kernel,
        out_type=jax.ShapeDtypeStruct((N_NODES, EMB_DIM), jnp.float32),
        mesh=mesh,
        scratch_types=(
            [pltpu.VMEM_SHARED((NUM_EMB, EMB_DIM), jnp.float32)]
            + [pltpu.VMEM((NUM_MAIN * WINDOW,), jnp.int32)]
            + [pltpu.VMEM((WINDOW, EMB_DIM), jnp.float32) for _ in range(NBUF)]
            + [
                pltpu.VMEM((SMALL_A,), jnp.int32),
                pltpu.VMEM((SMALL_A, EMB_DIM), jnp.float32),
                pltpu.VMEM((SMALL_B,), jnp.int32),
                pltpu.VMEM((SMALL_B, EMB_DIM), jnp.float32),
                pltpu.SemaphoreType.DMA((2,)),
                pltpu.SemaphoreType.DMA((NBUF + 1,)),
                pltpu.SemaphoreType.DMA((NBUF + 1,)),
            ]
        ),
    )
    def gather_kernel(table_hbm, idx_hbm, out_hbm, table_sp, idx_all, rv0, rv1,
                      rv2, t_idx_a, t_rows_a, t_idx_b, t_rows_b, isem, gsem,
                      wsem):
        row_bufs = (rv0, rv1, rv2)
        sid = lax.axis_index("s")
        wid = sid * 2 + lax.axis_index("c")

        start_w = wid * 3120 + 8 * jnp.minimum(wid, 20)
        tsize = jnp.where(wid < 20, SMALL_A, SMALL_B)
        is_a = wid < 20

        def mbase(j):
            return start_w + tsize + WINDOW * (j - 1)

        def idx_all_copy():
            return pltpu.make_async_copy(
                idx_hbm.at[pl.ds(start_w + tsize, NUM_MAIN * WINDOW)],
                idx_all, isem.at[0])

        def mgather(j):
            k = (j - 1) % NBUF
            return pltpu.make_async_copy(
                table_sp.at[idx_all.at[pl.ds(WINDOW * (j - 1), WINDOW)]],
                row_bufs[k], gsem.at[k])

        def mwrite(j):
            k = (j - 1) % NBUF
            return pltpu.make_async_copy(
                row_bufs[k], out_hbm.at[pl.ds(mbase(j), WINDOW)], wsem.at[k])

        def small_op(fn):
            @pl.when(is_a)
            def _():
                fn(t_idx_a, t_rows_a, SMALL_A)

            @pl.when(jnp.logical_not(is_a))
            def _():
                fn(t_idx_b, t_rows_b, SMALL_B)

        def s_idx(ib, rb, n):
            return pltpu.make_async_copy(
                idx_hbm.at[pl.ds(start_w, n)], ib, isem.at[1])

        def s_gather(ib, rb, n):
            return pltpu.make_async_copy(
                table_sp.at[ib], rb, gsem.at[NBUF])

        def s_write(ib, rb, n):
            return pltpu.make_async_copy(
                rb, out_hbm.at[pl.ds(start_w, n)], wsem.at[NBUF])

        small_op(lambda ib, rb, n: s_idx(ib, rb, n).start())
        idx_all_copy().start()

        @pl.when(sid < 14)
        def _():
            pltpu.sync_copy(table_hbm.at[pl.ds(sid * STAGE_ROWS, STAGE_ROWS)],
                            table_sp.at[pl.ds(sid * STAGE_ROWS, STAGE_ROWS)])

        @pl.when(sid == 14)
        def _():
            pltpu.sync_copy(
                table_hbm.at[pl.ds(14 * STAGE_ROWS, NUM_EMB - 14 * STAGE_ROWS)],
                table_sp.at[pl.ds(14 * STAGE_ROWS, NUM_EMB - 14 * STAGE_ROWS)])

        plsc.subcore_barrier()

        small_op(lambda ib, rb, n: s_idx(ib, rb, n).wait())
        small_op(lambda ib, rb, n: s_gather(ib, rb, n).start())
        idx_all_copy().wait()

        for j in range(NB):
            if j + 1 < NB:
                if j + 1 - NBUF >= 1:
                    mwrite(j + 1 - NBUF).wait()
                mgather(j + 1).start()
            if j == 0:
                small_op(lambda ib, rb, n: s_gather(ib, rb, n).wait())
                small_op(lambda ib, rb, n: s_write(ib, rb, n).start())
            else:
                mgather(j).wait()
                mwrite(j).start()
        small_op(lambda ib, rb, n: s_write(ib, rb, n).wait())
        for j in range(max(1, NB - NBUF), NB):
            mwrite(j).wait()

    return gather_kernel(table, idx)

# --- scband reference (transcript-rebuilt; emitter-appended) ---
"""Pipeline reference for scband-simple-atom-encoder-15814069584465 (READ-ONLY COPY).

The authoritative reference and input builder live on the scoring server;
editing this copy changes nothing except your own understanding.
"""

import jax, jax.numpy as jnp
import numpy as np

NUM_EMBEDDINGS = 119
EMB_DIM = 128
N_NODES = 100000

def setup_inputs(seed: int = 0) -> dict:
    key = jax.random.key(seed)
    k_idx, k_tab = jax.random.split(key)
    x = jax.random.randint(k_idx, (N_NODES, 1), 0, NUM_EMBEDDINGS, dtype=jnp.int64) if jax.config.jax_enable_x64 else jax.random.randint(k_idx, (N_NODES, 1), 0, NUM_EMBEDDINGS, dtype=jnp.int32)
    table = jax.random.normal(k_tab, (NUM_EMBEDDINGS, EMB_DIM), dtype=jnp.float32)
    return {"x": x, "table": table}

def reference(x, table):
    # SimpleAtomEncoder.forward: self.emb(x.squeeze(-1).long())
    idx = jnp.squeeze(x, axis=-1).astype(jnp.int32)
    return jnp.take(table, idx, axis=0)

if __name__ == "__main__":
    import jax
    _d = setup_inputs()
    print(jax.jit(kernel)(*tuple(_d.values())))

</pallas_src>

<mosaic_0001>
#map = affine_map<(d0, d1) -> (0, 0)>
#map1 = affine_map<(d0, d1) -> (0)>
module attributes {stable_mosaic.version = 14 : i64} {
  func.func @gather_kernel(%arg0: i32, %arg1: i32, %arg2: memref<119x128xf32, #tpu.memory_space<hbm>>, %arg3: memref<100000xi32, #tpu.memory_space<hbm>>, %arg4: memref<100000x128xf32, #tpu.memory_space<hbm>>, %arg5: memref<119x128xf32, #tpu.memory_space<vmem_shared>>, %arg6: memref<3000xi32, #tpu.memory_space<vmem>>, %arg7: memref<200x128xf32, #tpu.memory_space<vmem>>, %arg8: memref<200x128xf32, #tpu.memory_space<vmem>>, %arg9: memref<200x128xf32, #tpu.memory_space<vmem>>, %arg10: memref<128xi32, #tpu.memory_space<vmem>>, %arg11: memref<128x128xf32, #tpu.memory_space<vmem>>, %arg12: memref<120xi32, #tpu.memory_space<vmem>>, %arg13: memref<120x128xf32, #tpu.memory_space<vmem>>, %arg14: memref<2x!tpu.dma_semaphore, #tpu.memory_space<semaphore_mem>>, %arg15: memref<4x!tpu.dma_semaphore, #tpu.memory_space<semaphore_mem>>, %arg16: memref<4x!tpu.dma_semaphore, #tpu.memory_space<semaphore_mem>>) attributes {dimension_semantics = [#tpu.dimension_semantics<core_parallel>, #tpu.dimension_semantics<subcore_parallel>], iteration_bounds = array<i64: 2, 16>, scalar_prefetch = 0 : i64, scratch_operands = 12 : i64, tpu.core_type = #tpu.core_type<sc_vector_subcore>, window_params = [{transform_indices = #map}, {transform_indices = #map1}, {transform_indices = #map}]} {
    %mul3A = arith.constant 2 : i32
    %mul3A_0 = arith.muli %arg1, %mul3A : i32
    %add3A = arith.addi %mul3A_0, %arg0 : i32
    %mul3A_1 = arith.constant 3120 : i32
    %mul3A_2 = arith.muli %add3A, %mul3A_1 : i32
    %min3A = arith.constant 20 : i32
    %min3A_3 = arith.minsi %add3A, %min3A : i32
    %mul3A_4 = arith.constant 8 : i32
    %mul3A_5 = arith.muli %mul3A_4, %min3A_3 : i32
    %add3A_6 = arith.addi %mul3A_2, %mul3A_5 : i32
    %lt3A = arith.constant 20 : i32
    %lt3A_7 = arith.cmpi slt, %add3A, %lt3A : i32
    %jit3A = arith.constant 128 : i32
    %jit3A_8 = arith.constant 120 : i32
    %select_n3A = arith.select %lt3A_7, %jit3A, %jit3A_8 : i32
    %lt3A_9 = arith.constant 20 : i32
    %lt3A_10 = arith.cmpi slt, %add3A, %lt3A_9 : i32
    %convert_element_type3A = arith.extui %lt3A_10 : i1 to i32
    %cond3A = arith.constant 0 : i32
    %cond3A_11 = arith.cmpi ne, %convert_element_type3A, %cond3A : i32
    scf.if %cond3A_11 {
      %dma_start3A_615 = arith.constant 1 : i32
      %dma_start3A_616 = tpu.memref_slice %arg3[%add3A_6] : memref<100000xi32, #tpu.memory_space<hbm>> -> memref<128xi32, #tpu.memory_space<hbm>>
      %dma_start3A_617 = tpu.memref_slice %arg14[%dma_start3A_615] : memref<2x!tpu.dma_semaphore, #tpu.memory_space<semaphore_mem>> -> memref<1x!tpu.dma_semaphore, #tpu.memory_space<semaphore_mem>>
      %dma_start3A_618 = tpu.memref_squeeze %dma_start3A_617 : memref<1x!tpu.dma_semaphore, #tpu.memory_space<semaphore_mem>> -> memref<!tpu.dma_semaphore, #tpu.memory_space<semaphore_mem>>
      %dma_start3A_619 = tpu.memref_slice %arg3[%add3A_6] : memref<100000xi32, #tpu.memory_space<hbm>> -> memref<128xi32, #tpu.memory_space<hbm>>
      tpu.enqueue_dma source(%dma_start3A_619 : memref<128xi32, #tpu.memory_space<hbm>>) target(%arg10 : memref<128xi32, #tpu.memory_space<vmem>>) target_semaphore(%dma_start3A_618 : memref<!tpu.dma_semaphore, #tpu.memory_space<semaphore_mem>>)
    } else {
    }
    %not3A = arith.constant true
    %not3A_12 = arith.xori %lt3A_10, %not3A : i1
    %convert_element_type3A_13 = arith.extui %not3A_12 : i1 to i32
    %cond3A_14 = arith.constant 0 : i32
    %cond3A_15 = arith.cmpi ne, %convert_element_type3A_13, %cond3A_14 : i32
    scf.if %cond3A_15 {
      %dma_start3A_615 = arith.constant 1 : i32
      %dma_start3A_616 = tpu.memref_slice %arg3[%add3A_6] : memref<100000xi32, #tpu.memory_space<hbm>> -> memref<120xi32, #tpu.memory_space<hbm>>
      %dma_start3A_617 = tpu.memref_slice %arg14[%dma_start3A_615] : memref<2x!tpu.dma_semaphore, #tpu.memory_space<semaphore_mem>> -> memref<1x!tpu.dma_semaphore, #tpu.memory_space<semaphore_mem>>
      %dma_start3A_618 = tpu.memref_squeeze %dma_start3A_617 : memref<1x!tpu.dma_semaphore, #tpu.memory_space<semaphore_mem>> -> memref<!tpu.dma_semaphore, #tpu.memory_space<semaphore_mem>>
      %dma_start3A_619 = tpu.memref_slice %arg3[%add3A_6] : memref<100000xi32, #tpu.memory_space<hbm>> -> memref<120xi32, #tpu.memory_space<hbm>>
      tpu.enqueue_dma source(%dma_start3A_619 : memref<120xi32, #tpu.memory_space<hbm>>) target(%arg12 : memref<120xi32, #tpu.memory_space<vmem>>) target_semaphore(%dma_start3A_618 : memref<!tpu.dma_semaphore, #tpu.memory_space<semaphore_mem>>)
    } else {
    }
    %add3A_16 = arith.addi %add3A_6, %select_n3A : i32
    %dma_start3A = arith.constant 0 : i32
    %dma_start3A_17 = tpu.memref_slice %arg3[%add3A_16] : memref<100000xi32, #tpu.memory_space<hbm>> -> memref<3000xi32, #tpu.memory_space<hbm>>
    %dma_start3A_18 = tpu.memref_slice %arg14[%dma_start3A] : memref<2x!tpu.dma_semaphore, #tpu.memory_space<semaphore_mem>> -> memref<1x!tpu.dma_semaphore, #tpu.memory_space<semaphore_mem>>
    %dma_start3A_19 = tpu.memref_squeeze %dma_start3A_18 : memref<1x!tpu.dma_semaphore, #tpu.memory_space<semaphore_mem>> -> memref<!tpu.dma_semaphore, #tpu.memory_space<semaphore_mem>>
    %dma_start3A_20 = tpu.memref_slice %arg3[%add3A_16] : memref<100000xi32, #tpu.memory_space<hbm>> -> memref<3000xi32, #tpu.memory_space<hbm>>
    tpu.enqueue_dma source(%dma_start3A_20 : memref<3000xi32, #tpu.memory_space<hbm>>) target(%arg6 : memref<3000xi32, #tpu.memory_space<vmem>>) target_semaphore(%dma_start3A_19 : memref<!tpu.dma_semaphore, #tpu.memory_space<semaphore_mem>>)
    %lt3A_21 = arith.constant 14 : i32
    %lt3A_22 = arith.cmpi slt, %arg1, %lt3A_21 : i32
    %convert_element_type3A_23 = arith.extui %lt3A_22 : i1 to i32
    %cond3A_24 = arith.constant 0 : i32
    %cond3A_25 = arith.cmpi ne, %convert_element_type3A_23, %cond3A_24 : i32
    scf.if %cond3A_25 {
      %mul3A_615 = arith.constant 8 : i32
      %mul3A_616 = arith.muli %arg1, %mul3A_615 : i32
      %mul3A_617 = arith.constant 8 : i32
      %mul3A_618 = arith.muli %arg1, %mul3A_617 : i32
      "tpu.region"() ({
        %run_scoped3A = tpu.sem_alloc : memref<!tpu.dma_semaphore, #tpu.memory_space<semaphore_mem>>
        %dma_start3A_619 = arith.constant 0 : i32
        %dma_start3A_620 = tpu.memref_slice %arg5[%mul3A_618, %dma_start3A_619] : memref<119x128xf32, #tpu.memory_space<vmem_shared>> -> memref<8x128xf32, #tpu.memory_space<vmem_shared>>
        %dma_start3A_621 = arith.constant 0 : i32
        %dma_start3A_622 = tpu.memref_slice %arg2[%mul3A_616, %dma_start3A_621] : memref<119x128xf32, #tpu.memory_space<hbm>> -> memref<8x128xf32, #tpu.memory_space<hbm>>
        tpu.enqueue_dma source(%dma_start3A_622 : memref<8x128xf32, #tpu.memory_space<hbm>>) target(%dma_start3A_620 : memref<8x128xf32, #tpu.memory_space<vmem_shared>>) target_semaphore(%run_scoped3A : memref<!tpu.dma_semaphore, #tpu.memory_space<semaphore_mem>>)
        %dma_wait3A_623 = arith.constant 0 : i32
        %dma_wait3A_624 = tpu.memref_slice %arg5[%mul3A_618, %dma_wait3A_623] : memref<119x128xf32, #tpu.memory_space<vmem_shared>> -> memref<8x128xf32, #tpu.memory_space<vmem_shared>>
        %dma_wait3A_625 = arith.constant 0 : i32
        %dma_wait3A_626 = tpu.memref_slice %arg2[%mul3A_616, %dma_wait3A_625] : memref<119x128xf32, #tpu.memory_space<hbm>> -> memref<8x128xf32, #tpu.memory_space<hbm>>
        tpu.wait_dma2 semaphore(%run_scoped3A : memref<!tpu.dma_semaphore, #tpu.memory_space<semaphore_mem>>) src(%dma_wait3A_626 : memref<8x128xf32, #tpu.memory_space<hbm>>) dst(%dma_wait3A_624 : memref<8x128xf32, #tpu.memory_space<vmem_shared>>)
        tpu.yield
      }) : () -> ()
    } else {
    }
    %eq3A = arith.constant 14 : i32
    %eq3A_26 = arith.cmpi eq, %arg1, %eq3A : i32
    %convert_element_type3A_27 = arith.extui %eq3A_26 : i1 to i32
    %cond3A_28 = arith.constant 0 : i32
    %cond3A_29 = arith.cmpi ne, %convert_element_type3A_27, %cond3A_28 : i32
    scf.if %cond3A_29 {
      "tpu.region"() ({
        %run_scoped3A = tpu.sem_alloc : memref<!tpu.dma_semaphore, #tpu.memory_space<semaphore_mem>>
        %dma_start3A_615 = arith.constant 112 : i32
        %dma_start3A_616 = arith.constant 0 : i32
        %dma_start3A_617 = tpu.memref_slice %arg5[%dma_start3A_615, %dma_start3A_616] : memref<119x128xf32, #tpu.memory_space<vmem_shared>> -> memref<7x128xf32, #tpu.memory_space<vmem_shared>>
        %dma_start3A_618 = arith.constant 112 : i32
        %dma_start3A_619 = arith.constant 0 : i32
        %dma_start3A_620 = tpu.memref_slice %arg2[%dma_start3A_618, %dma_start3A_619] : memref<119x128xf32, #tpu.memory_space<hbm>> -> memref<7x128xf32, #tpu.memory_space<hbm>>
        tpu.enqueue_dma source(%dma_start3A_620 : memref<7x128xf32, #tpu.memory_space<hbm>>) target(%dma_start3A_617 : memref<7x128xf32, #tpu.memory_space<vmem_shared>>) target_semaphore(%run_scoped3A : memref<!tpu.dma_semaphore, #tpu.memory_space<semaphore_mem>>)
        %dma_wait3A_621 = arith.constant 112 : i32
        %dma_wait3A_622 = arith.constant 0 : i32
        %dma_wait3A_623 = tpu.memref_slice %arg5[%dma_wait3A_621, %dma_wait3A_622] : memref<119x128xf32, #tpu.memory_space<vmem_shared>> -> memref<7x128xf32, #tpu.memory_space<vmem_shared>>
        %dma_wait3A_624 = arith.constant 112 : i32
        %dma_wait3A_625 = arith.constant 0 : i32
        %dma_wait3A_626 = tpu.memref_slice %arg2[%dma_wait3A_624, %dma_wait3A_625] : memref<119x128xf32, #tpu.memory_space<hbm>> -> memref<7x128xf32, #tpu.memory_space<hbm>>
        tpu.wait_dma2 semaphore(%run_scoped3A : memref<!tpu.dma_semaphore, #tpu.memory_space<semaphore_mem>>) src(%dma_wait3A_626 : memref<7x128xf32, #tpu.memory_space<hbm>>) dst(%dma_wait3A_623 : memref<7x128xf32, #tpu.memory_space<vmem_shared>>)
        tpu.yield
      }) : () -> ()
    } else {
    }
    %barrier3A = arith.constant 0 : index
    tpu.barrier barrier_id(%barrier3A)
    %convert_element_type3A_30 = arith.extui %lt3A_10 : i1 to i32
    %cond3A_31 = arith.constant 0 : i32
    %cond3A_32 = arith.cmpi ne, %convert_element_type3A_30, %cond3A_31 : i32
    scf.if %cond3A_32 {
      %dma_wait3A_615 = arith.constant 1 : i32
      %dma_wait3A_616 = tpu.memref_slice %arg3[%add3A_6] : memref<100000xi32, #tpu.memory_space<hbm>> -> memref<128xi32, #tpu.memory_space<hbm>>
      %dma_wait3A_617 = tpu.memref_slice %arg14[%dma_wait3A_615] : memref<2x!tpu.dma_semaphore, #tpu.memory_space<semaphore_mem>> -> memref<1x!tpu.dma_semaphore, #tpu.memory_space<semaphore_mem>>
      %dma_wait3A_618 = tpu.memref_squeeze %dma_wait3A_617 : memref<1x!tpu.dma_semaphore, #tpu.memory_space<semaphore_mem>> -> memref<!tpu.dma_semaphore, #tpu.memory_space<semaphore_mem>>
      %dma_wait3A_619 = tpu.memref_slice %arg3[%add3A_6] : memref<100000xi32, #tpu.memory_space<hbm>> -> memref<128xi32, #tpu.memory_space<hbm>>
      tpu.wait_dma2 semaphore(%dma_wait3A_618 : memref<!tpu.dma_semaphore, #tpu.memory_space<semaphore_mem>>) src(%dma_wait3A_619 : memref<128xi32, #tpu.memory_space<hbm>>) dst(%arg10 : memref<128xi32, #tpu.memory_space<vmem>>)
    } else {
    }
    %not3A_33 = arith.constant true
    %not3A_34 = arith.xori %lt3A_10, %not3A_33 : i1
    %convert_element_type3A_35 = arith.extui %not3A_34 : i1 to i32
    %cond3A_36 = arith.constant 0 : i32
    %cond3A_37 = arith.cmpi ne, %convert_element_type3A_35, %cond3A_36 : i32
    scf.if %cond3A_37 {
      %dma_wait3A_615 = arith.constant 1 : i32
      %dma_wait3A_616 = tpu.memref_slice %arg3[%add3A_6] : memref<100000xi32, #tpu.memory_space<hbm>> -> memref<120xi32, #tpu.memory_space<hbm>>
      %dma_wait3A_617 = tpu.memref_slice %arg14[%dma_wait3A_615] : memref<2x!tpu.dma_semaphore, #tpu.memory_space<semaphore_mem>> -> memref<1x!tpu.dma_semaphore, #tpu.memory_space<semaphore_mem>>
      %dma_wait3A_618 = tpu.memref_squeeze %dma_wait3A_617 : memref<1x!tpu.dma_semaphore, #tpu.memory_space<semaphore_mem>> -> memref<!tpu.dma_semaphore, #tpu.memory_space<semaphore_mem>>
      %dma_wait3A_619 = tpu.memref_slice %arg3[%add3A_6] : memref<100000xi32, #tpu.memory_space<hbm>> -> memref<120xi32, #tpu.memory_space<hbm>>
      tpu.wait_dma2 semaphore(%dma_wait3A_618 : memref<!tpu.dma_semaphore, #tpu.memory_space<semaphore_mem>>) src(%dma_wait3A_619 : memref<120xi32, #tpu.memory_space<hbm>>) dst(%arg12 : memref<120xi32, #tpu.memory_space<vmem>>)
    } else {
    }
    %convert_element_type3A_38 = arith.extui %lt3A_10 : i1 to i32
    %cond3A_39 = arith.constant 0 : i32
    %cond3A_40 = arith.cmpi ne, %convert_element_type3A_38, %cond3A_39 : i32
    scf.if %cond3A_40 {
      %dma_start3A_615 = arith.constant 3 : i32
      %dma_start3A_616 = arith.constant 0 : i32
      %dma_start3A_617 = arith.constant 0 : i32
      %dma_start3A_618 = tpu.memref_slice %arg5[%dma_start3A_616, %dma_start3A_617] : memref<119x128xf32, #tpu.memory_space<vmem_shared>> -> memref<119x128xf32, #tpu.memory_space<vmem_shared>>
      %dma_start3A_619 = tpu.memref_slice %arg15[%dma_start3A_615] : memref<4x!tpu.dma_semaphore, #tpu.memory_space<semaphore_mem>> -> memref<1x!tpu.dma_semaphore, #tpu.memory_space<semaphore_mem>>
      %dma_start3A_620 = tpu.memref_squeeze %dma_start3A_619 : memref<1x!tpu.dma_semaphore, #tpu.memory_space<semaphore_mem>> -> memref<!tpu.dma_semaphore, #tpu.memory_space<semaphore_mem>>
      tpu.enqueue_indirect_dma source(%dma_start3A_618 : memref<119x128xf32, #tpu.memory_space<vmem_shared>>) target(%arg11 : memref<128x128xf32, #tpu.memory_space<vmem>>) offsets(%arg10 : memref<128xi32, #tpu.memory_space<vmem>>) semaphore(%dma_start3A_620 : memref<!tpu.dma_semaphore, #tpu.memory_space<semaphore_mem>>)
    } else {
    }
    %not3A_41 = arith.constant true
    %not3A_42 = arith.xori %lt3A_10, %not3A_41 : i1
    %convert_element_type3A_43 = arith.extui %not3A_42 : i1 to i32
    %cond3A_44 = arith.constant 0 : i32
    %cond3A_45 = arith.cmpi ne, %convert_element_type3A_43, %cond3A_44 : i32
    scf.if %cond3A_45 {
      %dma_start3A_615 = arith.constant 3 : i32
      %dma_start3A_616 = arith.constant 0 : i32
      %dma_start3A_617 = arith.constant 0 : i32
      %dma_start3A_618 = tpu.memref_slice %arg5[%dma_start3A_616, %dma_start3A_617] : memref<119x128xf32, #tpu.memory_space<vmem_shared>> -> memref<119x128xf32, #tpu.memory_space<vmem_shared>>
      %dma_start3A_619 = tpu.memref_slice %arg15[%dma_start3A_615] : memref<4x!tpu.dma_semaphore, #tpu.memory_space<semaphore_mem>> -> memref<1x!tpu.dma_semaphore, #tpu.memory_space<semaphore_mem>>
      %dma_start3A_620 = tpu.memref_squeeze %dma_start3A_619 : memref<1x!tpu.dma_semaphore, #tpu.memory_space<semaphore_mem>> -> memref<!tpu.dma_semaphore, #tpu.memory_space<semaphore_mem>>
      tpu.enqueue_indirect_dma source(%dma_start3A_618 : memref<119x128xf32, #tpu.memory_space<vmem_shared>>) target(%arg13 : memref<120x128xf32, #tpu.memory_space<vmem>>) offsets(%arg12 : memref<120xi32, #tpu.memory_space<vmem>>) semaphore(%dma_start3A_620 : memref<!tpu.dma_semaphore, #tpu.memory_space<semaphore_mem>>)
    } else {
    }
    %add3A_46 = arith.addi %add3A_6, %select_n3A : i32
    %dma_wait3A = arith.constant 0 : i32
    %dma_wait3A_47 = tpu.memref_slice %arg3[%add3A_46] : memref<100000xi32, #tpu.memory_space<hbm>> -> memref<3000xi32, #tpu.memory_space<hbm>>
    %dma_wait3A_48 = tpu.memref_slice %arg14[%dma_wait3A] : memref<2x!tpu.dma_semaphore, #tpu.memory_space<semaphore_mem>> -> memref<1x!tpu.dma_semaphore, #tpu.memory_space<semaphore_mem>>
    %dma_wait3A_49 = tpu.memref_squeeze %dma_wait3A_48 : memref<1x!tpu.dma_semaphore, #tpu.memory_space<semaphore_mem>> -> memref<!tpu.dma_semaphore, #tpu.memory_space<semaphore_mem>>
    %dma_wait3A_50 = tpu.memref_slice %arg3[%add3A_46] : memref<100000xi32, #tpu.memory_space<hbm>> -> memref<3000xi32, #tpu.memory_space<hbm>>
    tpu.wait_dma2 semaphore(%dma_wait3A_49 : memref<!tpu.dma_semaphore, #tpu.memory_space<semaphore_mem>>) src(%dma_wait3A_50 : memref<3000xi32, #tpu.memory_space<hbm>>) dst(%arg6 : memref<3000xi32, #tpu.memory_space<vmem>>)
    %dma_start3A_51 = arith.constant 0 : i32
    %dma_start3A_52 = arith.constant 0 : i32
    %dma_start3A_53 = tpu.memref_slice %arg6[%dma_start3A_52] : memref<3000xi32, #tpu.memory_space<vmem>> -> memref<200xi32, #tpu.memory_space<vmem>>
    %dma_start3A_54 = arith.constant 0 : i32
    %dma_start3A_55 = arith.constant 0 : i32
    %dma_start3A_56 = tpu.memref_slice %arg5[%dma_start3A_54, %dma_start3A_55] : memref<119x128xf32, #tpu.memory_space<vmem_shared>> -> memref<119x128xf32, #tpu.memory_space<vmem_shared>>
    %dma_start3A_57 = tpu.memref_slice %arg15[%dma_start3A_51] : memref<4x!tpu.dma_semaphore, #tpu.memory_space<semaphore_mem>> -> memref<1x!tpu.dma_semaphore, #tpu.memory_space<semaphore_mem>>
    %dma_start3A_58 = tpu.memref_squeeze %dma_start3A_57 : memref<1x!tpu.dma_semaphore, #tpu.memory_space<semaphore_mem>> -> memref<!tpu.dma_semaphore, #tpu.memory_space<semaphore_mem>>
    tpu.enqueue_indirect_dma source(%dma_start3A_56 : memref<119x128xf32, #tpu.memory_space<vmem_shared>>) target(%arg7 : memref<200x128xf32, #tpu.memory_space<vmem>>) offsets(%dma_start3A_53 : memref<200xi32, #tpu.memory_space<vmem>>) semaphore(%dma_start3A_58 : memref<!tpu.dma_semaphore, #tpu.memory_space<semaphore_mem>>)
    %convert_element_type3A_59 = arith.extui %lt3A_10 : i1 to i32
    %cond3A_60 = arith.constant 0 : i32
    %cond3A_61 = arith.cmpi ne, %convert_element_type3A_59, %cond3A_60 : i32
    scf.if %cond3A_61 {
      %dma_wait3A_615 = arith.constant 3 : i32
      %dma_wait3A_616 = arith.constant 0 : i32
      %dma_wait3A_617 = arith.constant 0 : i32
      %dma_wait3A_618 = tpu.memref_slice %arg5[%dma_wait3A_616, %dma_wait3A_617] : memref<119x128xf32, #tpu.memory_space<vmem_shared>> -> memref<119x128xf32, #tpu.memory_space<vmem_shared>>
      %dma_wait3A_619 = tpu.memref_slice %arg15[%dma_wait3A_615] : memref<4x!tpu.dma_semaphore, #tpu.memory_space<semaphore_mem>> -> memref<1x!tpu.dma_semaphore, #tpu.memory_space<semaphore_mem>>
      %dma_wait3A_620 = tpu.memref_squeeze %dma_wait3A_619 : memref<1x!tpu.dma_semaphore, #tpu.memory_space<semaphore_mem>> -> memref<!tpu.dma_semaphore, #tpu.memory_space<semaphore_mem>>
      tpu.wait_indirect_dma semaphore(%dma_wait3A_620 : memref<!tpu.dma_semaphore, #tpu.memory_space<semaphore_mem>>) src(%dma_wait3A_618 : memref<119x128xf32, #tpu.memory_space<vmem_shared>>) dst(%arg11 : memref<128x128xf32, #tpu.memory_space<vmem>>)
    } else {
    }
    %not3A_62 = arith.constant true
    %not3A_63 = arith.xori %lt3A_10, %not3A_62 : i1
    %convert_element_type3A_64 = arith.extui %not3A_63 : i1 to i32
    %cond3A_65 = arith.constant 0 : i32
    %cond3A_66 = arith.cmpi ne, %convert_element_type3A_64, %cond3A_65 : i32
    scf.if %cond3A_66 {
      %dma_wait3A_615 = arith.constant 3 : i32
      %dma_wait3A_616 = arith.constant 0 : i32
      %dma_wait3A_617 = arith.constant 0 : i32
      %dma_wait3A_618 = tpu.memref_slice %arg5[%dma_wait3A_616, %dma_wait3A_617] : memref<119x128xf32, #tpu.memory_space<vmem_shared>> -> memref<119x128xf32, #tpu.memory_space<vmem_shared>>
      %dma_wait3A_619 = tpu.memref_slice %arg15[%dma_wait3A_615] : memref<4x!tpu.dma_semaphore, #tpu.memory_space<semaphore_mem>> -> memref<1x!tpu.dma_semaphore, #tpu.memory_space<semaphore_mem>>
      %dma_wait3A_620 = tpu.memref_squeeze %dma_wait3A_619 : memref<1x!tpu.dma_semaphore, #tpu.memory_space<semaphore_mem>> -> memref<!tpu.dma_semaphore, #tpu.memory_space<semaphore_mem>>
      tpu.wait_indirect_dma semaphore(%dma_wait3A_620 : memref<!tpu.dma_semaphore, #tpu.memory_space<semaphore_mem>>) src(%dma_wait3A_618 : memref<119x128xf32, #tpu.memory_space<vmem_shared>>) dst(%arg13 : memref<120x128xf32, #tpu.memory_space<vmem>>)
    } else {
    }
    %convert_element_type3A_67 = arith.extui %lt3A_10 : i1 to i32
    %cond3A_68 = arith.constant 0 : i32
    %cond3A_69 = arith.cmpi ne, %convert_element_type3A_67, %cond3A_68 : i32
    scf.if %cond3A_69 {
      %dma_start3A_615 = arith.constant 3 : i32
      %dma_start3A_616 = arith.constant 0 : i32
      %dma_start3A_617 = tpu.memref_slice %arg4[%add3A_6, %dma_start3A_616] : memref<100000x128xf32, #tpu.memory_space<hbm>> -> memref<128x128xf32, #tpu.memory_space<hbm>>
      %dma_start3A_618 = tpu.memref_slice %arg16[%dma_start3A_615] : memref<4x!tpu.dma_semaphore, #tpu.memory_space<semaphore_mem>> -> memref<1x!tpu.dma_semaphore, #tpu.memory_space<semaphore_mem>>
      %dma_start3A_619 = tpu.memref_squeeze %dma_start3A_618 : memref<1x!tpu.dma_semaphore, #tpu.memory_space<semaphore_mem>> -> memref<!tpu.dma_semaphore, #tpu.memory_space<semaphore_mem>>
      %dma_start3A_620 = arith.constant 0 : i32
      %dma_start3A_621 = tpu.memref_slice %arg4[%add3A_6, %dma_start3A_620] : memref<100000x128xf32, #tpu.memory_space<hbm>> -> memref<128x128xf32, #tpu.memory_space<hbm>>
      tpu.enqueue_dma source(%arg11 : memref<128x128xf32, #tpu.memory_space<vmem>>) target(%dma_start3A_621 : memref<128x128xf32, #tpu.memory_space<hbm>>) target_semaphore(%dma_start3A_619 : memref<!tpu.dma_semaphore, #tpu.memory_space<semaphore_mem>>)
    } else {
    }
    %not3A_70 = arith.constant true
    %not3A_71 = arith.xori %lt3A_10, %not3A_70 : i1
    %convert_element_type3A_72 = arith.extui %not3A_71 : i1 to i32
    %cond3A_73 = arith.constant 0 : i32
    %cond3A_74 = arith.cmpi ne, %convert_element_type3A_72, %cond3A_73 : i32
    scf.if %cond3A_74 {
      %dma_start3A_615 = arith.constant 3 : i32
      %dma_start3A_616 = arith.constant 0 : i32
      %dma_start3A_617 = tpu.memref_slice %arg4[%add3A_6, %dma_start3A_616] : memref<100000x128xf32, #tpu.memory_space<hbm>> -> memref<120x128xf32, #tpu.memory_space<hbm>>
      %dma_start3A_618 = tpu.memref_slice %arg16[%dma_start3A_615] : memref<4x!tpu.dma_semaphore, #tpu.memory_space<semaphore_mem>> -> memref<1x!tpu.dma_semaphore, #tpu.memory_space<semaphore_mem>>
      %dma_start3A_619 = tpu.memref_squeeze %dma_start3A_618 : memref<1x!tpu.dma_semaphore, #tpu.memory_space<semaphore_mem>> -> memref<!tpu.dma_semaphore, #tpu.memory_space<semaphore_mem>>
      %dma_start3A_620 = arith.constant 0 : i32
      %dma_start3A_621 = tpu.memref_slice %arg4[%add3A_6, %dma_start3A_620] : memref<100000x128xf32, #tpu.memory_space<hbm>> -> memref<120x128xf32, #tpu.memory_space<hbm>>
      tpu.enqueue_dma source(%arg13 : memref<120x128xf32, #tpu.memory_space<vmem>>) target(%dma_start3A_621 : memref<120x128xf32, #tpu.memory_space<hbm>>) target_semaphore(%dma_start3A_619 : memref<!tpu.dma_semaphore, #tpu.memory_space<semaphore_mem>>)
    } else {
    }
    %dma_start3A_75 = arith.constant 1 : i32
    %dma_start3A_76 = arith.constant 200 : i32
    %dma_start3A_77 = tpu.memref_slice %arg6[%dma_start3A_76] : memref<3000xi32, #tpu.memory_space<vmem>> -> memref<200xi32, #tpu.memory_space<vmem>>
    %dma_start3A_78 = arith.constant 0 : i32
    %dma_start3A_79 = arith.constant 0 : i32
    %dma_start3A_80 = tpu.memref_slice %arg5[%dma_start3A_78, %dma_start3A_79] : memref<119x128xf32, #tpu.memory_space<vmem_shared>> -> memref<119x128xf32, #tpu.memory_space<vmem_shared>>
    %dma_start3A_81 = tpu.memref_slice %arg15[%dma_start3A_75] : memref<4x!tpu.dma_semaphore, #tpu.memory_space<semaphore_mem>> -> memref<1x!tpu.dma_semaphore, #tpu.memory_space<semaphore_mem>>
    %dma_start3A_82 = tpu.memref_squeeze %dma_start3A_81 : memref<1x!tpu.dma_semaphore, #tpu.memory_space<semaphore_mem>> -> memref<!tpu.dma_semaphore, #tpu.memory_space<semaphore_mem>>
    tpu.enqueue_indirect_dma source(%dma_start3A_80 : memref<119x128xf32, #tpu.memory_space<vmem_shared>>) target(%arg8 : memref<200x128xf32, #tpu.memory_space<vmem>>) offsets(%dma_start3A_77 : memref<200xi32, #tpu.memory_space<vmem>>) semaphore(%dma_start3A_82 : memref<!tpu.dma_semaphore, #tpu.memory_space<semaphore_mem>>)
    %dma_wait3A_83 = arith.constant 0 : i32
    %dma_wait3A_84 = arith.constant 0 : i32
    %dma_wait3A_85 = tpu.memref_slice %arg6[%dma_wait3A_84] : memref<3000xi32, #tpu.memory_space<vmem>> -> memref<200xi32, #tpu.memory_space<vmem>>
    %dma_wait3A_86 = arith.constant 0 : i32
    %dma_wait3A_87 = arith.constant 0 : i32
    %dma_wait3A_88 = tpu.memref_slice %arg5[%dma_wait3A_86, %dma_wait3A_87] : memref<119x128xf32, #tpu.memory_space<vmem_shared>> -> memref<119x128xf32, #tpu.memory_space<vmem_shared>>
    %dma_wait3A_89 = tpu.memref_slice %arg15[%dma_wait3A_83] : memref<4x!tpu.dma_semaphore, #tpu.memory_space<semaphore_mem>> -> memref<1x!tpu.dma_semaphore, #tpu.memory_space<semaphore_mem>>
    %dma_wait3A_90 = tpu.memref_squeeze %dma_wait3A_89 : memref<1x!tpu.dma_semaphore, #tpu.memory_space<semaphore_mem>> -> memref<!tpu.dma_semaphore, #tpu.memory_space<semaphore_mem>>
    tpu.wait_indirect_dma semaphore(%dma_wait3A_90 : memref<!tpu.dma_semaphore, #tpu.memory_space<semaphore_mem>>) src(%dma_wait3A_88 : memref<119x128xf32, #tpu.memory_space<vmem_shared>>) dst(%arg7 : memref<200x128xf32, #tpu.memory_space<vmem>>)
    %add3A_91 = arith.addi %add3A_6, %select_n3A : i32
    %add3A_92 = arith.constant 0 : i32
    %add3A_93 = arith.addi %add3A_91, %add3A_92 : i32
    %dma_start3A_94 = arith.constant 0 : i32
    %dma_start3A_95 = arith.constant 0 : i32
    %dma_start3A_96 = tpu.memref_slice %arg4[%add3A_93, %dma_start3A_95] : memref<100000x128xf32, #tpu.memory_space<hbm>> -> memref<200x128xf32, #tpu.memory_space<hbm>>
    %dma_start3A_97 = tpu.memref_slice %arg16[%dma_start3A_94] : memref<4x!tpu.dma_semaphore, #tpu.memory_space<semaphore_mem>> -> memref<1x!tpu.dma_semaphore, #tpu.memory_space<semaphore_mem>>
    %dma_start3A_98 = tpu.memref_squeeze %dma_start3A_97 : memref<1x!tpu.dma_semaphore, #tpu.memory_space<semaphore_mem>> -> memref<!tpu.dma_semaphore, #tpu.memory_space<semaphore_mem>>
    %dma_start3A_99 = arith.constant 0 : i32
    %dma_start3A_100 = tpu.memref_slice %arg4[%add3A_93, %dma_start3A_99] : memref<100000x128xf32, #tpu.memory_space<hbm>> -> memref<200x128xf32, #tpu.memory_space<hbm>>
    tpu.enqueue_dma source(%arg7 : memref<200x128xf32, #tpu.memory_space<vmem>>) target(%dma_start3A_100 : memref<200x128xf32, #tpu.memory_space<hbm>>) target_semaphore(%dma_start3A_98 : memref<!tpu.dma_semaphore, #tpu.memory_space<semaphore_mem>>)
    %dma_start3A_101 = arith.constant 2 : i32
    %dma_start3A_102 = arith.constant 400 : i32
    %dma_start3A_103 = tpu.memref_slice %arg6[%dma_start3A_102] : memref<3000xi32, #tpu.memory_space<vmem>> -> memref<200xi32, #tpu.memory_space<vmem>>
    %dma_start3A_104 = arith.constant 0 : i32
    %dma_start3A_105 = arith.constant 0 : i32
    %dma_start3A_106 = tpu.memref_slice %arg5[%dma_start3A_104, %dma_start3A_105] : memref<119x128xf32, #tpu.memory_space<vmem_shared>> -> memref<119x128xf32, #tpu.memory_space<vmem_shared>>
    %dma_start3A_107 = tpu.memref_slice %arg15[%dma_start3A_101] : memref<4x!tpu.dma_semaphore, #tpu.memory_space<semaphore_mem>> -> memref<1x!tpu.dma_semaphore, #tpu.memory_space<semaphore_mem>>
    %dma_start3A_108 = tpu.memref_squeeze %dma_start3A_107 : memref<1x!tpu.dma_semaphore, #tpu.memory_space<semaphore_mem>> -> memref<!tpu.dma_semaphore, #tpu.memory_space<semaphore_mem>>
    tpu.enqueue_indirect_dma source(%dma_start3A_106 : memref<119x128xf32, #tpu.memory_space<vmem_shared>>) target(%arg9 : memref<200x128xf32, #tpu.memory_space<vmem>>) offsets(%dma_start3A_103 : memref<200xi32, #tpu.memory_space<vmem>>) semaphore(%dma_start3A_108 : memref<!tpu.dma_semaphore, #tpu.memory_space<semaphore_mem>>)
    %dma_wait3A_109 = arith.constant 1 : i32
    %dma_wait3A_110 = arith.constant 200 : i32
    %dma_wait3A_111 = tpu.memref_slice %arg6[%dma_wait3A_110] : memref<3000xi32, #tpu.memory_space<vmem>> -> memref<200xi32, #tpu.memory_space<vmem>>
    %dma_wait3A_112 = arith.constant 0 : i32
    %dma_wait3A_113 = arith.constant 0 : i32
    %dma_wait3A_114 = tpu.memref_slice %arg5[%dma_wait3A_112, %dma_wait3A_113] : memref<119x128xf32, #tpu.memory_space<vmem_shared>> -> memref<119x128xf32, #tpu.memory_space<vmem_shared>>
    %dma_wait3A_115 = tpu.memref_slice %arg15[%dma_wait3A_109] : memref<4x!tpu.dma_semaphore, #tpu.memory_space<semaphore_mem>> -> memref<1x!tpu.dma_semaphore, #tpu.memory_space<semaphore_mem>>
    %dma_wait3A_116 = tpu.memref_squeeze %dma_wait3A_115 : memref<1x!tpu.dma_semaphore, #tpu.memory_space<semaphore_mem>> -> memref<!tpu.dma_semaphore, #tpu.memory_space<semaphore_mem>>
    tpu.wait_indirect_dma semaphore(%dma_wait3A_116 : memref<!tpu.dma_semaphore, #tpu.memory_space<semaphore_mem>>) src(%dma_wait3A_114 : memref<119x128xf32, #tpu.memory_space<vmem_shared>>) dst(%arg8 : memref<200x128xf32, #tpu.memory_space<vmem>>)
    %add3A_117 = arith.addi %add3A_6, %select_n3A : i32
    %add3A_118 = arith.constant 200 : i32
    %add3A_119 = arith.addi %add3A_117, %add3A_118 : i32
    %dma_start3A_120 = arith.constant 1 : i32
    %dma_start3A_121 = arith.constant 0 : i32
    %dma_start3A_122 = tpu.memref_slice %arg4[%add3A_119, %dma_start3A_121] : memref<100000x128xf32, #tpu.memory_space<hbm>> -> memref<200x128xf32, #tpu.memory_space<hbm>>
    %dma_start3A_123 = tpu.memref_slice %arg16[%dma_start3A_120] : memref<4x!tpu.dma_semaphore, #tpu.memory_space<semaphore_mem>> -> memref<1x!tpu.dma_semaphore, #tpu.memory_space<semaphore_mem>>
    %dma_start3A_124 = tpu.memref_squeeze %dma_start3A_123 : memref<1x!tpu.dma_semaphore, #tpu.memory_space<semaphore_mem>> -> memref<!tpu.dma_semaphore, #tpu.memory_space<semaphore_mem>>
    %dma_start3A_125 = arith.constant 0 : i32
    %dma_start3A_126 = tpu.memref_slice %arg4[%add3A_119, %dma_start3A_125] : memref<100000x128xf32, #tpu.memory_space<hbm>> -> memref<200x128xf32, #tpu.memory_space<hbm>>
    tpu.enqueue_dma source(%arg8 : memref<200x128xf32, #tpu.memory_space<vmem>>) target(%dma_start3A_126 : memref<200x128xf32, #tpu.memory_space<hbm>>) target_semaphore(%dma_start3A_124 : memref<!tpu.dma_semaphore, #tpu.memory_space<semaphore_mem>>)
    %add3A_127 = arith.addi %add3A_6, %select_n3A : i32
    %add3A_128 = arith.constant 0 : i32
    %add3A_129 = arith.addi %add3A_127, %add3A_128 : i32
    %dma_wait3A_130 = arith.constant 0 : i32
    %dma_wait3A_131 = arith.constant 0 : i32
    %dma_wait3A_132 = tpu.memref_slice %arg4[%add3A_129, %dma_wait3A_131] : memref<100000x128xf32, #tpu.memory_space<hbm>> -> memref<200x128xf32, #tpu.memory_space<hbm>>
    %dma_wait3A_133 = tpu.memref_slice %arg16[%dma_wait3A_130] : memref<4x!tpu.dma_semaphore, #tpu.memory_space<semaphore_mem>> -> memref<1x!tpu.dma_semaphore, #tpu.memory_space<semaphore_mem>>
    %dma_wait3A_134 = tpu.memref_squeeze %dma_wait3A_133 : memref<1x!tpu.dma_semaphore, #tpu.memory_space<semaphore_mem>> -> memref<!tpu.dma_semaphore, #tpu.memory_space<semaphore_mem>>
    %dma_wait3A_135 = arith.constant 0 : i32
    %dma_wait3A_136 = tpu.memref_slice %arg4[%add3A_129, %dma_wait3A_135] : memref<100000x128xf32, #tpu.memory_space<hbm>> -> memref<200x128xf32, #tpu.memory_space<hbm>>
    tpu.wait_dma2 semaphore(%dma_wait3A_134 : memref<!tpu.dma_semaphore, #tpu.memory_space<semaphore_mem>>) src(%arg7 : memref<200x128xf32, #tpu.memory_space<vmem>>) dst(%dma_wait3A_136 : memref<200x128xf32, #tpu.memory_space<hbm>>)
    %dma_start3A_137 = arith.constant 0 : i32
    %dma_start3A_138 = arith.constant 600 : i32
    %dma_start3A_139 = tpu.memref_slice %arg6[%dma_start3A_138] : memref<3000xi32, #tpu.memory_space<vmem>> -> memref<200xi32, #tpu.memory_space<vmem>>
    %dma_start3A_140 = arith.constant 0 : i32
    %dma_start3A_141 = arith.constant 0 : i32
    %dma_start3A_142 = tpu.memref_slice %arg5[%dma_start3A_140, %dma_start3A_141] : memref<119x128xf32, #tpu.memory_space<vmem_shared>> -> memref<119x128xf32, #tpu.memory_space<vmem_shared>>
    %dma_start3A_143 = tpu.memref_slice %arg15[%dma_start3A_137] : memref<4x!tpu.dma_semaphore, #tpu.memory_space<semaphore_mem>> -> memref<1x!tpu.dma_semaphore, #tpu.memory_space<semaphore_mem>>
    %dma_start3A_144 = tpu.memref_squeeze %dma_start3A_143 : memref<1x!tpu.dma_semaphore, #tpu.memory_space<semaphore_mem>> -> memref<!tpu.dma_semaphore, #tpu.memory_space<semaphore_mem>>
    tpu.enqueue_indirect_dma source(%dma_start3A_142 : memref<119x128xf32, #tpu.memory_space<vmem_shared>>) target(%arg7 : memref<200x128xf32, #tpu.memory_space<vmem>>) offsets(%dma_start3A_139 : memref<200xi32, #tpu.memory_space<vmem>>) semaphore(%dma_start3A_144 : memref<!tpu.dma_semaphore, #tpu.memory_space<semaphore_mem>>)
    %dma_wait3A_145 = arith.constant 2 : i32
    %dma_wait3A_146 = arith.constant 400 : i32
    %dma_wait3A_147 = tpu.memref_slice %arg6[%dma_wait3A_146] : memref<3000xi32, #tpu.memory_space<vmem>> -> memref<200xi32, #tpu.memory_space<vmem>>
    %dma_wait3A_148 = arith.constant 0 : i32
    %dma_wait3A_149 = arith.constant 0 : i32
    %dma_wait3A_150 = tpu.memref_slice %arg5[%dma_wait3A_148, %dma_wait3A_149] : memref<119x128xf32, #tpu.memory_space<vmem_shared>> -> memref<119x128xf32, #tpu.memory_space<vmem_shared>>
    %dma_wait3A_151 = tpu.memref_slice %arg15[%dma_wait3A_145] : memref<4x!tpu.dma_semaphore, #tpu.memory_space<semaphore_mem>> -> memref<1x!tpu.dma_semaphore, #tpu.memory_space<semaphore_mem>>
    %dma_wait3A_152 = tpu.memref_squeeze %dma_wait3A_151 : memref<1x!tpu.dma_semaphore, #tpu.memory_space<semaphore_mem>> -> memref<!tpu.dma_semaphore, #tpu.memory_space<semaphore_mem>>
    tpu.wait_indirect_dma semaphore(%dma_wait3A_152 : memref<!tpu.dma_semaphore, #tpu.memory_space<semaphore_mem>>) src(%dma_wait3A_150 : memref<119x128xf32, #tpu.memory_space<vmem_shared>>) dst(%arg9 : memref<200x128xf32, #tpu.memory_space<vmem>>)
    %add3A_153 = arith.addi %add3A_6, %select_n3A : i32
    %add3A_154 = arith.constant 400 : i32
    %add3A_155 = arith.addi %add3A_153, %add3A_154 : i32
    %dma_start3A_156 = arith.constant 2 : i32
    %dma_start3A_157 = arith.constant 0 : i32
    %dma_start3A_158 = tpu.memref_slice %arg4[%add3A_155, %dma_start3A_157] : memref<100000x128xf32, #tpu.memory_space<hbm>> -> memref<200x128xf32, #tpu.memory_space<hbm>>
    %dma_start3A_159 = tpu.memref_slice %arg16[%dma_start3A_156] : memref<4x!tpu.dma_semaphore, #tpu.memory_space<semaphore_mem>> -> memref<1x!tpu.dma_semaphore, #tpu.memory_space<semaphore_mem>>
    %dma_start3A_160 = tpu.memref_squeeze %dma_start3A_159 : memref<1x!tpu.dma_semaphore, #tpu.memory_space<semaphore_mem>> -> memref<!tpu.dma_semaphore, #tpu.memory_space<semaphore_mem>>
    %dma_start3A_161 = arith.constant 0 : i32
    %dma_start3A_162 = tpu.memref_slice %arg4[%add3A_155, %dma_start3A_161] : memref<100000x128xf32, #tpu.memory_space<hbm>> -> memref<200x128xf32, #tpu.memory_space<hbm>>
    tpu.enqueue_dma source(%arg9 : memref<200x128xf32, #tpu.memory_space<vmem>>) target(%dma_start3A_162 : memref<200x128xf32, #tpu.memory_space<hbm>>) target_semaphore(%dma_start3A_160 : memref<!tpu.dma_semaphore, #tpu.memory_space<semaphore_mem>>)
    %add3A_163 = arith.addi %add3A_6, %select_n3A : i32
    %add3A_164 = arith.constant 200 : i32
    %add3A_165 = arith.addi %add3A_163, %add3A_164 : i32
    %dma_wait3A_166 = arith.constant 1 : i32
    %dma_wait3A_167 = arith.constant 0 : i32
    %dma_wait3A_168 = tpu.memref_slice %arg4[%add3A_165, %dma_wait3A_167] : memref<100000x128xf32, #tpu.memory_space<hbm>> -> memref<200x128xf32, #tpu.memory_space<hbm>>
    %dma_wait3A_169 = tpu.memref_slice %arg16[%dma_wait3A_166] : memref<4x!tpu.dma_semaphore, #tpu.memory_space<semaphore_mem>> -> memref<1x!tpu.dma_semaphore, #tpu.memory_space<semaphore_mem>>
    %dma_wait3A_170 = tpu.memref_squeeze %dma_wait3A_169 : memref<1x!tpu.dma_semaphore, #tpu.memory_space<semaphore_mem>> -> memref<!tpu.dma_semaphore, #tpu.memory_space<semaphore_mem>>
    %dma_wait3A_171 = arith.constant 0 : i32
    %dma_wait3A_172 = tpu.memref_slice %arg4[%add3A_165, %dma_wait3A_171] : memref<100000x128xf32, #tpu.memory_space<hbm>> -> memref<200x128xf32, #tpu.memory_space<hbm>>
    tpu.wait_dma2 semaphore(%dma_wait3A_170 : memref<!tpu.dma_semaphore, #tpu.memory_space<semaphore_mem>>) src(%arg8 : memref<200x128xf32, #tpu.memory_space<vmem>>) dst(%dma_wait3A_172 : memref<200x128xf32, #tpu.memory_space<hbm>>)
    %dma_start3A_173 = arith.constant 1 : i32
    %dma_start3A_174 = arith.constant 800 : i32
    %dma_start3A_175 = tpu.memref_slice %arg6[%dma_start3A_174] : memref<3000xi32, #tpu.memory_space<vmem>> -> memref<200xi32, #tpu.memory_space<vmem>>
    %dma_start3A_176 = arith.constant 0 : i32
    %dma_start3A_177 = arith.constant 0 : i32
    %dma_start3A_178 = tpu.memref_slice %arg5[%dma_start3A_176, %dma_start3A_177] : memref<119x128xf32, #tpu.memory_space<vmem_shared>> -> memref<119x128xf32, #tpu.memory_space<vmem_shared>>
    %dma_start3A_179 = tpu.memref_slice %arg15[%dma_start3A_173] : memref<4x!tpu.dma_semaphore, #tpu.memory_space<semaphore_mem>> -> memref<1x!tpu.dma_semaphore, #tpu.memory_space<semaphore_mem>>
    %dma_start3A_180 = tpu.memref_squeeze %dma_start3A_179 : memref<1x!tpu.dma_semaphore, #tpu.memory_space<semaphore_mem>> -> memref<!tpu.dma_semaphore, #tpu.memory_space<semaphore_mem>>
    tpu.enqueue_indirect_dma source(%dma_start3A_178 : memref<119x128xf32, #tpu.memory_space<vmem_shared>>) target(%arg8 : memref<200x128xf32, #tpu.memory_space<vmem>>) offsets(%dma_start3A_175 : memref<200xi32, #tpu.memory_space<vmem>>) semaphore(%dma_start3A_180 : memref<!tpu.dma_semaphore, #tpu.memory_space<semaphore_mem>>)
    %dma_wait3A_181 = arith.constant 0 : i32
    %dma_wait3A_182 = arith.constant 600 : i32
    %dma_wait3A_183 = tpu.memref_slice %arg6[%dma_wait3A_182] : memref<3000xi32, #tpu.memory_space<vmem>> -> memref<200xi32, #tpu.memory_space<vmem>>
    %dma_wait3A_184 = arith.constant 0 : i32
    %dma_wait3A_185 = arith.constant 0 : i32
    %dma_wait3A_186 = tpu.memref_slice %arg5[%dma_wait3A_184, %dma_wait3A_185] : memref<119x128xf32, #tpu.memory_space<vmem_shared>> -> memref<119x128xf32, #tpu.memory_space<vmem_shared>>
    %dma_wait3A_187 = tpu.memref_slice %arg15[%dma_wait3A_181] : memref<4x!tpu.dma_semaphore, #tpu.memory_space<semaphore_mem>> -> memref<1x!tpu.dma_semaphore, #tpu.memory_space<semaphore_mem>>
    %dma_wait3A_188 = tpu.memref_squeeze %dma_wait3A_187 : memref<1x!tpu.dma_semaphore, #tpu.memory_space<semaphore_mem>> -> memref<!tpu.dma_semaphore, #tpu.memory_space<semaphore_mem>>
    tpu.wait_indirect_dma semaphore(%dma_wait3A_188 : memref<!tpu.dma_semaphore, #tpu.memory_space<semaphore_mem>>) src(%dma_wait3A_186 : memref<119x128xf32, #tpu.memory_space<vmem_shared>>) dst(%arg7 : memref<200x128xf32, #tpu.memory_space<vmem>>)
    %add3A_189 = arith.addi %add3A_6, %select_n3A : i32
    %add3A_190 = arith.constant 600 : i32
    %add3A_191 = arith.addi %add3A_189, %add3A_190 : i32
    %dma_start3A_192 = arith.constant 0 : i32
    %dma_start3A_193 = arith.constant 0 : i32
    %dma_start3A_194 = tpu.memref_slice %arg4[%add3A_191, %dma_start3A_193] : memref<100000x128xf32, #tpu.memory_space<hbm>> -> memref<200x128xf32, #tpu.memory_space<hbm>>
    %dma_start3A_195 = tpu.memref_slice %arg16[%dma_start3A_192] : memref<4x!tpu.dma_semaphore, #tpu.memory_space<semaphore_mem>> -> memref<1x!tpu.dma_semaphore, #tpu.memory_space<semaphore_mem>>
    %dma_start3A_196 = tpu.memref_squeeze %dma_start3A_195 : memref<1x!tpu.dma_semaphore, #tpu.memory_space<semaphore_mem>> -> memref<!tpu.dma_semaphore, #tpu.memory_space<semaphore_mem>>
    %dma_start3A_197 = arith.constant 0 : i32
    %dma_start3A_198 = tpu.memref_slice %arg4[%add3A_191, %dma_start3A_197] : memref<100000x128xf32, #tpu.memory_space<hbm>> -> memref<200x128xf32, #tpu.memory_space<hbm>>
    tpu.enqueue_dma source(%arg7 : memref<200x128xf32, #tpu.memory_space<vmem>>) target(%dma_start3A_198 : memref<200x128xf32, #tpu.memory_space<hbm>>) target_semaphore(%dma_start3A_196 : memref<!tpu.dma_semaphore, #tpu.memory_space<semaphore_mem>>)
    %add3A_199 = arith.addi %add3A_6, %select_n3A : i32
    %add3A_200 = arith.constant 400 : i32
    %add3A_201 = arith.addi %add3A_199, %add3A_200 : i32
    %dma_wait3A_202 = arith.constant 2 : i32
    %dma_wait3A_203 = arith.constant 0 : i32
    %dma_wait3A_204 = tpu.memref_slice %arg4[%add3A_201, %dma_wait3A_203] : memref<100000x128xf32, #tpu.memory_space<hbm>> -> memref<200x128xf32, #tpu.memory_space<hbm>>
    %dma_wait3A_205 = tpu.memref_slice %arg16[%dma_wait3A_202] : memref<4x!tpu.dma_semaphore, #tpu.memory_space<semaphore_mem>> -> memref<1x!tpu.dma_semaphore, #tpu.memory_space<semaphore_mem>>
    %dma_wait3A_206 = tpu.memref_squeeze %dma_wait3A_205 : memref<1x!tpu.dma_semaphore, #tpu.memory_space<semaphore_mem>> -> memref<!tpu.dma_semaphore, #tpu.memory_space<semaphore_mem>>
    %dma_wait3A_207 = arith.constant 0 : i32
    %dma_wait3A_208 = tpu.memref_slice %arg4[%add3A_201, %dma_wait3A_207] : memref<100000x128xf32, #tpu.memory_space<hbm>> -> memref<200x128xf32, #tpu.memory_space<hbm>>
    tpu.wait_dma2 semaphore(%dma_wait3A_206 : memref<!tpu.dma_semaphore, #tpu.memory_space<semaphore_mem>>) src(%arg9 : memref<200x128xf32, #tpu.memory_space<vmem>>) dst(%dma_wait3A_208 : memref<200x128xf32, #tpu.memory_space<hbm>>)
    %dma_start3A_209 = arith.constant 2 : i32
    %dma_start3A_210 = arith.constant 1000 : i32
    %dma_start3A_211 = tpu.memref_slice %arg6[%dma_start3A_210] : memref<3000xi32, #tpu.memory_space<vmem>> -> memref<200xi32, #tpu.memory_space<vmem>>
    %dma_start3A_212 = arith.constant 0 : i32
    %dma_start3A_213 = arith.constant 0 : i32
    %dma_start3A_214 = tpu.memref_slice %arg5[%dma_start3A_212, %dma_start3A_213] : memref<119x128xf32, #tpu.memory_space<vmem_shared>> -> memref<119x128xf32, #tpu.memory_space<vmem_shared>>
    %dma_start3A_215 = tpu.memref_slice %arg15[%dma_start3A_209] : memref<4x!tpu.dma_semaphore, #tpu.memory_space<semaphore_mem>> -> memref<1x!tpu.dma_semaphore, #tpu.memory_space<semaphore_mem>>
    %dma_start3A_216 = tpu.memref_squeeze %dma_start3A_215 : memref<1x!tpu.dma_semaphore, #tpu.memory_space<semaphore_mem>> -> memref<!tpu.dma_semaphore, #tpu.memory_space<semaphore_mem>>
    tpu.enqueue_indirect_dma source(%dma_start3A_214 : memref<119x128xf32, #tpu.memory_space<vmem_shared>>) target(%arg9 : memref<200x128xf32, #tpu.memory_space<vmem>>) offsets(%dma_start3A_211 : memref<200xi32, #tpu.memory_space<vmem>>) semaphore(%dma_start3A_216 : memref<!tpu.dma_semaphore, #tpu.memory_space<semaphore_mem>>)
    %dma_wait3A_217 = arith.constant 1 : i32
    %dma_wait3A_218 = arith.constant 800 : i32
    %dma_wait3A_219 = tpu.memref_slice %arg6[%dma_wait3A_218] : memref<3000xi32, #tpu.memory_space<vmem>> -> memref<200xi32, #tpu.memory_space<vmem>>
    %dma_wait3A_220 = arith.constant 0 : i32
    %dma_wait3A_221 = arith.constant 0 : i32
    %dma_wait3A_222 = tpu.memref_slice %arg5[%dma_wait3A_220, %dma_wait3A_221] : memref<119x128xf32, #tpu.memory_space<vmem_shared>> -> memref<119x128xf32, #tpu.memory_space<vmem_shared>>
    %dma_wait3A_223 = tpu.memref_slice %arg15[%dma_wait3A_217] : memref<4x!tpu.dma_semaphore, #tpu.memory_space<semaphore_mem>> -> memref<1x!tpu.dma_semaphore, #tpu.memory_space<semaphore_mem>>
    %dma_wait3A_224 = tpu.memref_squeeze %dma_wait3A_223 : memref<1x!tpu.dma_semaphore, #tpu.memory_space<semaphore_mem>> -> memref<!tpu.dma_semaphore, #tpu.memory_space<semaphore_mem>>
    tpu.wait_indirect_dma semaphore(%dma_wait3A_224 : memref<!tpu.dma_semaphore, #tpu.memory_space<semaphore_mem>>) src(%dma_wait3A_222 : memref<119x128xf32, #tpu.memory_space<vmem_shared>>) dst(%arg8 : memref<200x128xf32, #tpu.memory_space<vmem>>)
    %add3A_225 = arith.addi %add3A_6, %select_n3A : i32
    %add3A_226 = arith.constant 800 : i32
    %add3A_227 = arith.addi %add3A_225, %add3A_226 : i32
    %dma_start3A_228 = arith.constant 1 : i32
    %dma_start3A_229 = arith.constant 0 : i32
    %dma_start3A_230 = tpu.memref_slice %arg4[%add3A_227, %dma_start3A_229] : memref<100000x128xf32, #tpu.memory_space<hbm>> -> memref<200x128xf32, #tpu.memory_space<hbm>>
    %dma_start3A_231 = tpu.memref_slice %arg16[%dma_start3A_228] : memref<4x!tpu.dma_semaphore, #tpu.memory_space<semaphore_mem>> -> memref<1x!tpu.dma_semaphore, #tpu.memory_space<semaphore_mem>>
    %dma_start3A_232 = tpu.memref_squeeze %dma_start3A_231 : memref<1x!tpu.dma_semaphore, #tpu.memory_space<semaphore_mem>> -> memref<!tpu.dma_semaphore, #tpu.memory_space<semaphore_mem>>
    %dma_start3A_233 = arith.constant 0 : i32
    %dma_start3A_234 = tpu.memref_slice %arg4[%add3A_227, %dma_start3A_233] : memref<100000x128xf32, #tpu.memory_space<hbm>> -> memref<200x128xf32, #tpu.memory_space<hbm>>
    tpu.enqueue_dma source(%arg8 : memref<200x128xf32, #tpu.memory_space<vmem>>) target(%dma_start3A_234 : memref<200x128xf32, #tpu.memory_space<hbm>>) target_semaphore(%dma_start3A_232 : memref<!tpu.dma_semaphore, #tpu.memory_space<semaphore_mem>>)
    %add3A_235 = arith.addi %add3A_6, %select_n3A : i32
    %add3A_236 = arith.constant 600 : i32
    %add3A_237 = arith.addi %add3A_235, %add3A_236 : i32
    %dma_wait3A_238 = arith.constant 0 : i32
    %dma_wait3A_239 = arith.constant 0 : i32
    %dma_wait3A_240 = tpu.memref_slice %arg4[%add3A_237, %dma_wait3A_239] : memref<100000x128xf32, #tpu.memory_space<hbm>> -> memref<200x128xf32, #tpu.memory_space<hbm>>
    %dma_wait3A_241 = tpu.memref_slice %arg16[%dma_wait3A_238] : memref<4x!tpu.dma_semaphore, #tpu.memory_space<semaphore_mem>> -> memref<1x!tpu.dma_semaphore, #tpu.memory_space<semaphore_mem>>
    %dma_wait3A_242 = tpu.memref_squeeze %dma_wait3A_241 : memref<1x!tpu.dma_semaphore, #tpu.memory_space<semaphore_mem>> -> memref<!tpu.dma_semaphore, #tpu.memory_space<semaphore_mem>>
    %dma_wait3A_243 = arith.constant 0 : i32
    %dma_wait3A_244 = tpu.memref_slice %arg4[%add3A_237, %dma_wait3A_243] : memref<100000x128xf32, #tpu.memory_space<hbm>> -> memref<200x128xf32, #tpu.memory_space<hbm>>
    tpu.wait_dma2 semaphore(%dma_wait3A_242 : memref<!tpu.dma_semaphore, #tpu.memory_space<semaphore_mem>>) src(%arg7 : memref<200x128xf32, #tpu.memory_space<vmem>>) dst(%dma_wait3A_244 : memref<200x128xf32, #tpu.memory_space<hbm>>)
    %dma_start3A_245 = arith.constant 0 : i32
    %dma_start3A_246 = arith.constant 1200 : i32
    %dma_start3A_247 = tpu.memref_slice %arg6[%dma_start3A_246] : memref<3000xi32, #tpu.memory_space<vmem>> -> memref<200xi32, #tpu.memory_space<vmem>>
    %dma_start3A_248 = arith.constant 0 : i32
    %dma_start3A_249 = arith.constant 0 : i32
    %dma_start3A_250 = tpu.memref_slice %arg5[%dma_start3A_248, %dma_start3A_249] : memref<119x128xf32, #tpu.memory_space<vmem_shared>> -> memref<119x128xf32, #tpu.memory_space<vmem_shared>>
    %dma_start3A_251 = tpu.memref_slice %arg15[%dma_start3A_245] : memref<4x!tpu.dma_semaphore, #tpu.memory_space<semaphore_mem>> -> memref<1x!tpu.dma_semaphore, #tpu.memory_space<semaphore_mem>>
    %dma_start3A_252 = tpu.memref_squeeze %dma_start3A_251 : memref<1x!tpu.dma_semaphore, #tpu.memory_space<semaphore_mem>> -> memref<!tpu.dma_semaphore, #tpu.memory_space<semaphore_mem>>
    tpu.enqueue_indirect_dma source(%dma_start3A_250 : memref<119x128xf32, #tpu.memory_space<vmem_shared>>) target(%arg7 : memref<200x128xf32, #tpu.memory_space<vmem>>) offsets(%dma_start3A_247 : memref<200xi32, #tpu.memory_space<vmem>>) semaphore(%dma_start3A_252 : memref<!tpu.dma_semaphore, #tpu.memory_space<semaphore_mem>>)
    %dma_wait3A_253 = arith.constant 2 : i32
    %dma_wait3A_254 = arith.constant 1000 : i32
    %dma_wait3A_255 = tpu.memref_slice %arg6[%dma_wait3A_254] : memref<3000xi32, #tpu.memory_space<vmem>> -> memref<200xi32, #tpu.memory_space<vmem>>
    %dma_wait3A_256 = arith.constant 0 : i32
    %dma_wait3A_257 = arith.constant 0 : i32
    %dma_wait3A_258 = tpu.memref_slice %arg5[%dma_wait3A_256, %dma_wait3A_257] : memref<119x128xf32, #tpu.memory_space<vmem_shared>> -> memref<119x128xf32, #tpu.memory_space<vmem_shared>>
    %dma_wait3A_259 = tpu.memref_slice %arg15[%dma_wait3A_253] : memref<4x!tpu.dma_semaphore, #tpu.memory_space<semaphore_mem>> -> memref<1x!tpu.dma_semaphore, #tpu.memory_space<semaphore_mem>>
    %dma_wait3A_260 = tpu.memref_squeeze %dma_wait3A_259 : memref<1x!tpu.dma_semaphore, #tpu.memory_space<semaphore_mem>> -> memref<!tpu.dma_semaphore, #tpu.memory_space<semaphore_mem>>
    tpu.wait_indirect_dma semaphore(%dma_wait3A_260 : memref<!tpu.dma_semaphore, #tpu.memory_space<semaphore_mem>>) src(%dma_wait3A_258 : memref<119x128xf32, #tpu.memory_space<vmem_shared>>) dst(%arg9 : memref<200x128xf32, #tpu.memory_space<vmem>>)
    %add3A_261 = arith.addi %add3A_6, %select_n3A : i32
    %add3A_262 = arith.constant 1000 : i32
    %add3A_263 = arith.addi %add3A_261, %add3A_262 : i32
    %dma_start3A_264 = arith.constant 2 : i32
    %dma_start3A_265 = arith.constant 0 : i32
    %dma_start3A_266 = tpu.memref_slice %arg4[%add3A_263, %dma_start3A_265] : memref<100000x128xf32, #tpu.memory_space<hbm>> -> memref<200x128xf32, #tpu.memory_space<hbm>>
    %dma_start3A_267 = tpu.memref_slice %arg16[%dma_start3A_264] : memref<4x!tpu.dma_semaphore, #tpu.memory_space<semaphore_mem>> -> memref<1x!tpu.dma_semaphore, #tpu.memory_space<semaphore_mem>>
    %dma_start3A_268 = tpu.memref_squeeze %dma_start3A_267 : memref<1x!tpu.dma_semaphore, #tpu.memory_space<semaphore_mem>> -> memref<!tpu.dma_semaphore, #tpu.memory_space<semaphore_mem>>
    %dma_start3A_269 = arith.constant 0 : i32
    %dma_start3A_270 = tpu.memref_slice %arg4[%add3A_263, %dma_start3A_269] : memref<100000x128xf32, #tpu.memory_space<hbm>> -> memref<200x128xf32, #tpu.memory_space<hbm>>
    tpu.enqueue_dma source(%arg9 : memref<200x128xf32, #tpu.memory_space<vmem>>) target(%dma_start3A_270 : memref<200x128xf32, #tpu.memory_space<hbm>>) target_semaphore(%dma_start3A_268 : memref<!tpu.dma_semaphore, #tpu.memory_space<semaphore_mem>>)
    %add3A_271 = arith.addi %add3A_6, %select_n3A : i32
    %add3A_272 = arith.constant 800 : i32
    %add3A_273 = arith.addi %add3A_271, %add3A_272 : i32
    %dma_wait3A_274 = arith.constant 1 : i32
    %dma_wait3A_275 = arith.constant 0 : i32
    %dma_wait3A_276 = tpu.memref_slice %arg4[%add3A_273, %dma_wait3A_275] : memref<100000x128xf32, #tpu.memory_space<hbm>> -> memref<200x128xf32, #tpu.memory_space<hbm>>
    %dma_wait3A_277 = tpu.memref_slice %arg16[%dma_wait3A_274] : memref<4x!tpu.dma_semaphore, #tpu.memory_space<semaphore_mem>> -> memref<1x!tpu.dma_semaphore, #tpu.memory_space<semaphore_mem>>
    %dma_wait3A_278 = tpu.memref_squeeze %dma_wait3A_277 : memref<1x!tpu.dma_semaphore, #tpu.memory_space<semaphore_mem>> -> memref<!tpu.dma_semaphore, #tpu.memory_space<semaphore_mem>>
    %dma_wait3A_279 = arith.constant 0 : i32
    %dma_wait3A_280 = tpu.memref_slice %arg4[%add3A_273, %dma_wait3A_279] : memref<100000x128xf32, #tpu.memory_space<hbm>> -> memref<200x128xf32, #tpu.memory_space<hbm>>
    tpu.wait_dma2 semaphore(%dma_wait3A_278 : memref<!tpu.dma_semaphore, #tpu.memory_space<semaphore_mem>>) src(%arg8 : memref<200x128xf32, #tpu.memory_space<vmem>>) dst(%dma_wait3A_280 : memref<200x128xf32, #tpu.memory_space<hbm>>)
    %dma_start3A_281 = arith.constant 1 : i32
    %dma_start3A_282 = arith.constant 1400 : i32
    %dma_start3A_283 = tpu.memref_slice %arg6[%dma_start3A_282] : memref<3000xi32, #tpu.memory_space<vmem>> -> memref<200xi32, #tpu.memory_space<vmem>>
    %dma_start3A_284 = arith.constant 0 : i32
    %dma_start3A_285 = arith.constant 0 : i32
    %dma_start3A_286 = tpu.memref_slice %arg5[%dma_start3A_284, %dma_start3A_285] : memref<119x128xf32, #tpu.memory_space<vmem_shared>> -> memref<119x128xf32, #tpu.memory_space<vmem_shared>>
    %dma_start3A_287 = tpu.memref_slice %arg15[%dma_start3A_281] : memref<4x!tpu.dma_semaphore, #tpu.memory_space<semaphore_mem>> -> memref<1x!tpu.dma_semaphore, #tpu.memory_space<semaphore_mem>>
    %dma_start3A_288 = tpu.memref_squeeze %dma_start3A_287 : memref<1x!tpu.dma_semaphore, #tpu.memory_space<semaphore_mem>> -> memref<!tpu.dma_semaphore, #tpu.memory_space<semaphore_mem>>
    tpu.enqueue_indirect_dma source(%dma_start3A_286 : memref<119x128xf32, #tpu.memory_space<vmem_shared>>) target(%arg8 : memref<200x128xf32, #tpu.memory_space<vmem>>) offsets(%dma_start3A_283 : memref<200xi32, #tpu.memory_space<vmem>>) semaphore(%dma_start3A_288 : memref<!tpu.dma_semaphore, #tpu.memory_space<semaphore_mem>>)
    %dma_wait3A_289 = arith.constant 0 : i32
    %dma_wait3A_290 = arith.constant 1200 : i32
    %dma_wait3A_291 = tpu.memref_slice %arg6[%dma_wait3A_290] : memref<3000xi32, #tpu.memory_space<vmem>> -> memref<200xi32, #tpu.memory_space<vmem>>
    %dma_wait3A_292 = arith.constant 0 : i32
    %dma_wait3A_293 = arith.constant 0 : i32
    %dma_wait3A_294 = tpu.memref_slice %arg5[%dma_wait3A_292, %dma_wait3A_293] : memref<119x128xf32, #tpu.memory_space<vmem_shared>> -> memref<119x128xf32, #tpu.memory_space<vmem_shared>>
    %dma_wait3A_295 = tpu.memref_slice %arg15[%dma_wait3A_289] : memref<4x!tpu.dma_semaphore, #tpu.memory_space<semaphore_mem>> -> memref<1x!tpu.dma_semaphore, #tpu.memory_space<semaphore_mem>>
    %dma_wait3A_296 = tpu.memref_squeeze %dma_wait3A_295 : memref<1x!tpu.dma_semaphore, #tpu.memory_space<semaphore_mem>> -> memref<!tpu.dma_semaphore, #tpu.memory_space<semaphore_mem>>
    tpu.wait_indirect_dma semaphore(%dma_wait3A_296 : memref<!tpu.dma_semaphore, #tpu.memory_space<semaphore_mem>>) src(%dma_wait3A_294 : memref<119x128xf32, #tpu.memory_space<vmem_shared>>) dst(%arg7 : memref<200x128xf32, #tpu.memory_space<vmem>>)
    %add3A_297 = arith.addi %add3A_6, %select_n3A : i32
    %add3A_298 = arith.constant 1200 : i32
    %add3A_299 = arith.addi %add3A_297, %add3A_298 : i32
    %dma_start3A_300 = arith.constant 0 : i32
    %dma_start3A_301 = arith.constant 0 : i32
    %dma_start3A_302 = tpu.memref_slice %arg4[%add3A_299, %dma_start3A_301] : memref<100000x128xf32, #tpu.memory_space<hbm>> -> memref<200x128xf32, #tpu.memory_space<hbm>>
    %dma_start3A_303 = tpu.memref_slice %arg16[%dma_start3A_300] : memref<4x!tpu.dma_semaphore, #tpu.memory_space<semaphore_mem>> -> memref<1x!tpu.dma_semaphore, #tpu.memory_space<semaphore_mem>>
    %dma_start3A_304 = tpu.memref_squeeze %dma_start3A_303 : memref<1x!tpu.dma_semaphore, #tpu.memory_space<semaphore_mem>> -> memref<!tpu.dma_semaphore, #tpu.memory_space<semaphore_mem>>
    %dma_start3A_305 = arith.constant 0 : i32
    %dma_start3A_306 = tpu.memref_slice %arg4[%add3A_299, %dma_start3A_305] : memref<100000x128xf32, #tpu.memory_space<hbm>> -> memref<200x128xf32, #tpu.memory_space<hbm>>
    tpu.enqueue_dma source(%arg7 : memref<200x128xf32, #tpu.memory_space<vmem>>) target(%dma_start3A_306 : memref<200x128xf32, #tpu.memory_space<hbm>>) target_semaphore(%dma_start3A_304 : memref<!tpu.dma_semaphore, #tpu.memory_space<semaphore_mem>>)
    %add3A_307 = arith.addi %add3A_6, %select_n3A : i32
    %add3A_308 = arith.constant 1000 : i32
    %add3A_309 = arith.addi %add3A_307, %add3A_308 : i32
    %dma_wait3A_310 = arith.constant 2 : i32
    %dma_wait3A_311 = arith.constant 0 : i32
    %dma_wait3A_312 = tpu.memref_slice %arg4[%add3A_309, %dma_wait3A_311] : memref<100000x128xf32, #tpu.memory_space<hbm>> -> memref<200x128xf32, #tpu.memory_space<hbm>>
    %dma_wait3A_313 = tpu.memref_slice %arg16[%dma_wait3A_310] : memref<4x!tpu.dma_semaphore, #tpu.memory_space<semaphore_mem>> -> memref<1x!tpu.dma_semaphore, #tpu.memory_space<semaphore_mem>>
    %dma_wait3A_314 = tpu.memref_squeeze %dma_wait3A_313 : memref<1x!tpu.dma_semaphore, #tpu.memory_space<semaphore_mem>> -> memref<!tpu.dma_semaphore, #tpu.memory_space<semaphore_mem>>
    %dma_wait3A_315 = arith.constant 0 : i32
    %dma_wait3A_316 = tpu.memref_slice %arg4[%add3A_309, %dma_wait3A_315] : memref<100000x128xf32, #tpu.memory_space<hbm>> -> memref<200x128xf32, #tpu.memory_space<hbm>>
    tpu.wait_dma2 semaphore(%dma_wait3A_314 : memref<!tpu.dma_semaphore, #tpu.memory_space<semaphore_mem>>) src(%arg9 : memref<200x128xf32, #tpu.memory_space<vmem>>) dst(%dma_wait3A_316 : memref<200x128xf32, #tpu.memory_space<hbm>>)
    %dma_start3A_317 = arith.constant 2 : i32
    %dma_start3A_318 = arith.constant 1600 : i32
    %dma_start3A_319 = tpu.memref_slice %arg6[%dma_start3A_318] : memref<3000xi32, #tpu.memory_space<vmem>> -> memref<200xi32, #tpu.memory_space<vmem>>
    %dma_start3A_320 = arith.constant 0 : i32
    %dma_start3A_321 = arith.constant 0 : i32
    %dma_start3A_322 = tpu.memref_slice %arg5[%dma_start3A_320, %dma_start3A_321] : memref<119x128xf32, #tpu.memory_space<vmem_shared>> -> memref<119x128xf32, #tpu.memory_space<vmem_shared>>
    %dma_start3A_323 = tpu.memref_slice %arg15[%dma_start3A_317] : memref<4x!tpu.dma_semaphore, #tpu.memory_space<semaphore_mem>> -> memref<1x!tpu.dma_semaphore, #tpu.memory_space<semaphore_mem>>
    %dma_start3A_324 = tpu.memref_squeeze %dma_start3A_323 : memref<1x!tpu.dma_semaphore, #tpu.memory_space<semaphore_mem>> -> memref<!tpu.dma_semaphore, #tpu.memory_space<semaphore_mem>>
    tpu.enqueue_indirect_dma source(%dma_start3A_322 : memref<119x128xf32, #tpu.memory_space<vmem_shared>>) target(%arg9 : memref<200x128xf32, #tpu.memory_space<vmem>>) offsets(%dma_start3A_319 : memref<200xi32, #tpu.memory_space<vmem>>) semaphore(%dma_start3A_324 : memref<!tpu.dma_semaphore, #tpu.memory_space<semaphore_mem>>)
    %dma_wait3A_325 = arith.constant 1 : i32
    %dma_wait3A_326 = arith.constant 1400 : i32
    %dma_wait3A_327 = tpu.memref_slice %arg6[%dma_wait3A_326] : memref<3000xi32, #tpu.memory_space<vmem>> -> memref<200xi32, #tpu.memory_space<vmem>>
    %dma_wait3A_328 = arith.constant 0 : i32
    %dma_wait3A_329 = arith.constant 0 : i32
    %dma_wait3A_330 = tpu.memref_slice %arg5[%dma_wait3A_328, %dma_wait3A_329] : memref<119x128xf32, #tpu.memory_space<vmem_shared>> -> memref<119x128xf32, #tpu.memory_space<vmem_shared>>
    %dma_wait3A_331 = tpu.memref_slice %arg15[%dma_wait3A_325] : memref<4x!tpu.dma_semaphore, #tpu.memory_space<semaphore_mem>> -> memref<1x!tpu.dma_semaphore, #tpu.memory_space<semaphore_mem>>
    %dma_wait3A_332 = tpu.memref_squeeze %dma_wait3A_331 : memref<1x!tpu.dma_semaphore, #tpu.memory_space<semaphore_mem>> -> memref<!tpu.dma_semaphore, #tpu.memory_space<semaphore_mem>>
    tpu.wait_indirect_dma semaphore(%dma_wait3A_332 : memref<!tpu.dma_semaphore, #tpu.memory_space<semaphore_mem>>) src(%dma_wait3A_330 : memref<119x128xf32, #tpu.memory_space<vmem_shared>>) dst(%arg8 : memref<200x128xf32, #tpu.memory_space<vmem>>)
    %add3A_333 = arith.addi %add3A_6, %select_n3A : i32
    %add3A_334 = arith.constant 1400 : i32
    %add3A_335 = arith.addi %add3A_333, %add3A_334 : i32
    %dma_start3A_336 = arith.constant 1 : i32
    %dma_start3A_337 = arith.constant 0 : i32
    %dma_start3A_338 = tpu.memref_slice %arg4[%add3A_335, %dma_start3A_337] : memref<100000x128xf32, #tpu.memory_space<hbm>> -> memref<200x128xf32, #tpu.memory_space<hbm>>
    %dma_start3A_339 = tpu.memref_slice %arg16[%dma_start3A_336] : memref<4x!tpu.dma_semaphore, #tpu.memory_space<semaphore_mem>> -> memref<1x!tpu.dma_semaphore, #tpu.memory_space<semaphore_mem>>
    %dma_start3A_340 = tpu.memref_squeeze %dma_start3A_339 : memref<1x!tpu.dma_semaphore, #tpu.memory_space<semaphore_mem>> -> memref<!tpu.dma_semaphore, #tpu.memory_space<semaphore_mem>>
    %dma_start3A_341 = arith.constant 0 : i32
    %dma_start3A_342 = tpu.memref_slice %arg4[%add3A_335, %dma_start3A_341] : memref<100000x128xf32, #tpu.memory_space<hbm>> -> memref<200x128xf32, #tpu.memory_space<hbm>>
    tpu.enqueue_dma source(%arg8 : memref<200x128xf32, #tpu.memory_space<vmem>>) target(%dma_start3A_342 : memref<200x128xf32, #tpu.memory_space<hbm>>) target_semaphore(%dma_start3A_340 : memref<!tpu.dma_semaphore, #tpu.memory_space<semaphore_mem>>)
    %add3A_343 = arith.addi %add3A_6, %select_n3A : i32
    %add3A_344 = arith.constant 1200 : i32
    %add3A_345 = arith.addi %add3A_343, %add3A_344 : i32
    %dma_wait3A_346 = arith.constant 0 : i32
    %dma_wait3A_347 = arith.constant 0 : i32
    %dma_wait3A_348 = tpu.memref_slice %arg4[%add3A_345, %dma_wait3A_347] : memref<100000x128xf32, #tpu.memory_space<hbm>> -> memref<200x128xf32, #tpu.memory_space<hbm>>
    %dma_wait3A_349 = tpu.memref_slice %arg16[%dma_wait3A_346] : memref<4x!tpu.dma_semaphore, #tpu.memory_space<semaphore_mem>> -> memref<1x!tpu.dma_semaphore, #tpu.memory_space<semaphore_mem>>
    %dma_wait3A_350 = tpu.memref_squeeze %dma_wait3A_349 : memref<1x!tpu.dma_semaphore, #tpu.memory_space<semaphore_mem>> -> memref<!tpu.dma_semaphore, #tpu.memory_space<semaphore_mem>>
    %dma_wait3A_351 = arith.constant 0 : i32
    %dma_wait3A_352 = tpu.memref_slice %arg4[%add3A_345, %dma_wait3A_351] : memref<100000x128xf32, #tpu.memory_space<hbm>> -> memref<200x128xf32, #tpu.memory_space<hbm>>
    tpu.wait_dma2 semaphore(%dma_wait3A_350 : memref<!tpu.dma_semaphore, #tpu.memory_space<semaphore_mem>>) src(%arg7 : memref<200x128xf32, #tpu.memory_space<vmem>>) dst(%dma_wait3A_352 : memref<200x128xf32, #tpu.memory_space<hbm>>)
    %dma_start3A_353 = arith.constant 0 : i32
    %dma_start3A_354 = arith.constant 1800 : i32
    %dma_start3A_355 = tpu.memref_slice %arg6[%dma_start3A_354] : memref<3000xi32, #tpu.memory_space<vmem>> -> memref<200xi32, #tpu.memory_space<vmem>>
    %dma_start3A_356 = arith.constant 0 : i32
    %dma_start3A_357 = arith.constant 0 : i32
    %dma_start3A_358 = tpu.memref_slice %arg5[%dma_start3A_356, %dma_start3A_357] : memref<119x128xf32, #tpu.memory_space<vmem_shared>> -> memref<119x128xf32, #tpu.memory_space<vmem_shared>>
    %dma_start3A_359 = tpu.memref_slice %arg15[%dma_start3A_353] : memref<4x!tpu.dma_semaphore, #tpu.memory_space<semaphore_mem>> -> memref<1x!tpu.dma_semaphore, #tpu.memory_space<semaphore_mem>>
    %dma_start3A_360 = tpu.memref_squeeze %dma_start3A_359 : memref<1x!tpu.dma_semaphore, #tpu.memory_space<semaphore_mem>> -> memref<!tpu.dma_semaphore, #tpu.memory_space<semaphore_mem>>
    tpu.enqueue_indirect_dma source(%dma_start3A_358 : memref<119x128xf32, #tpu.memory_space<vmem_shared>>) target(%arg7 : memref<200x128xf32, #tpu.memory_space<vmem>>) offsets(%dma_start3A_355 : memref<200xi32, #tpu.memory_space<vmem>>) semaphore(%dma_start3A_360 : memref<!tpu.dma_semaphore, #tpu.memory_space<semaphore_mem>>)
    %dma_wait3A_361 = arith.constant 2 : i32
    %dma_wait3A_362 = arith.constant 1600 : i32
    %dma_wait3A_363 = tpu.memref_slice %arg6[%dma_wait3A_362] : memref<3000xi32, #tpu.memory_space<vmem>> -> memref<200xi32, #tpu.memory_space<vmem>>
    %dma_wait3A_364 = arith.constant 0 : i32
    %dma_wait3A_365 = arith.constant 0 : i32
    %dma_wait3A_366 = tpu.memref_slice %arg5[%dma_wait3A_364, %dma_wait3A_365] : memref<119x128xf32, #tpu.memory_space<vmem_shared>> -> memref<119x128xf32, #tpu.memory_space<vmem_shared>>
    %dma_wait3A_367 = tpu.memref_slice %arg15[%dma_wait3A_361] : memref<4x!tpu.dma_semaphore, #tpu.memory_space<semaphore_mem>> -> memref<1x!tpu.dma_semaphore, #tpu.memory_space<semaphore_mem>>
    %dma_wait3A_368 = tpu.memref_squeeze %dma_wait3A_367 : memref<1x!tpu.dma_semaphore, #tpu.memory_space<semaphore_mem>> -> memref<!tpu.dma_semaphore, #tpu.memory_space<semaphore_mem>>
    tpu.wait_indirect_dma semaphore(%dma_wait3A_368 : memref<!tpu.dma_semaphore, #tpu.memory_space<semaphore_mem>>) src(%dma_wait3A_366 : memref<119x128xf32, #tpu.memory_space<vmem_shared>>) dst(%arg9 : memref<200x128xf32, #tpu.memory_space<vmem>>)
    %add3A_369 = arith.addi %add3A_6, %select_n3A : i32
    %add3A_370 = arith.constant 1600 : i32
    %add3A_371 = arith.addi %add3A_369, %add3A_370 : i32
    %dma_start3A_372 = arith.constant 2 : i32
    %dma_start3A_373 = arith.constant 0 : i32
    %dma_start3A_374 = tpu.memref_slice %arg4[%add3A_371, %dma_start3A_373] : memref<100000x128xf32, #tpu.memory_space<hbm>> -> memref<200x128xf32, #tpu.memory_space<hbm>>
    %dma_start3A_375 = tpu.memref_slice %arg16[%dma_start3A_372] : memref<4x!tpu.dma_semaphore, #tpu.memory_space<semaphore_mem>> -> memref<1x!tpu.dma_semaphore, #tpu.memory_space<semaphore_mem>>
    %dma_start3A_376 = tpu.memref_squeeze %dma_start3A_375 : memref<1x!tpu.dma_semaphore, #tpu.memory_space<semaphore_mem>> -> memref<!tpu.dma_semaphore, #tpu.memory_space<semaphore_mem>>
    %dma_start3A_377 = arith.constant 0 : i32
    %dma_start3A_378 = tpu.memref_slice %arg4[%add3A_371, %dma_start3A_377] : memref<100000x128xf32, #tpu.memory_space<hbm>> -> memref<200x128xf32, #tpu.memory_space<hbm>>
    tpu.enqueue_dma source(%arg9 : memref<200x128xf32, #tpu.memory_space<vmem>>) target(%dma_start3A_378 : memref<200x128xf32, #tpu.memory_space<hbm>>) target_semaphore(%dma_start3A_376 : memref<!tpu.dma_semaphore, #tpu.memory_space<semaphore_mem>>)
    %add3A_379 = arith.addi %add3A_6, %select_n3A : i32
    %add3A_380 = arith.constant 1400 : i32
    %add3A_381 = arith.addi %add3A_379, %add3A_380 : i32
    %dma_wait3A_382 = arith.constant 1 : i32
    %dma_wait3A_383 = arith.constant 0 : i32
    %dma_wait3A_384 = tpu.memref_slice %arg4[%add3A_381, %dma_wait3A_383] : memref<100000x128xf32, #tpu.memory_space<hbm>> -> memref<200x128xf32, #tpu.memory_space<hbm>>
    %dma_wait3A_385 = tpu.memref_slice %arg16[%dma_wait3A_382] : memref<4x!tpu.dma_semaphore, #tpu.memory_space<semaphore_mem>> -> memref<1x!tpu.dma_semaphore, #tpu.memory_space<semaphore_mem>>
    %dma_wait3A_386 = tpu.memref_squeeze %dma_wait3A_385 : memref<1x!tpu.dma_semaphore, #tpu.memory_space<semaphore_mem>> -> memref<!tpu.dma_semaphore, #tpu.memory_space<semaphore_mem>>
    %dma_wait3A_387 = arith.constant 0 : i32
    %dma_wait3A_388 = tpu.memref_slice %arg4[%add3A_381, %dma_wait3A_387] : memref<100000x128xf32, #tpu.memory_space<hbm>> -> memref<200x128xf32, #tpu.memory_space<hbm>>
    tpu.wait_dma2 semaphore(%dma_wait3A_386 : memref<!tpu.dma_semaphore, #tpu.memory_space<semaphore_mem>>) src(%arg8 : memref<200x128xf32, #tpu.memory_space<vmem>>) dst(%dma_wait3A_388 : memref<200x128xf32, #tpu.memory_space<hbm>>)
    %dma_start3A_389 = arith.constant 1 : i32
    %dma_start3A_390 = arith.constant 2000 : i32
    %dma_start3A_391 = tpu.memref_slice %arg6[%dma_start3A_390] : memref<3000xi32, #tpu.memory_space<vmem>> -> memref<200xi32, #tpu.memory_space<vmem>>
    %dma_start3A_392 = arith.constant 0 : i32
    %dma_start3A_393 = arith.constant 0 : i32
    %dma_start3A_394 = tpu.memref_slice %arg5[%dma_start3A_392, %dma_start3A_393] : memref<119x128xf32, #tpu.memory_space<vmem_shared>> -> memref<119x128xf32, #tpu.memory_space<vmem_shared>>
    %dma_start3A_395 = tpu.memref_slice %arg15[%dma_start3A_389] : memref<4x!tpu.dma_semaphore, #tpu.memory_space<semaphore_mem>> -> memref<1x!tpu.dma_semaphore, #tpu.memory_space<semaphore_mem>>
    %dma_start3A_396 = tpu.memref_squeeze %dma_start3A_395 : memref<1x!tpu.dma_semaphore, #tpu.memory_space<semaphore_mem>> -> memref<!tpu.dma_semaphore, #tpu.memory_space<semaphore_mem>>
    tpu.enqueue_indirect_dma source(%dma_start3A_394 : memref<119x128xf32, #tpu.memory_space<vmem_shared>>) target(%arg8 : memref<200x128xf32, #tpu.memory_space<vmem>>) offsets(%dma_start3A_391 : memref<200xi32, #tpu.memory_space<vmem>>) semaphore(%dma_start3A_396 : memref<!tpu.dma_semaphore, #tpu.memory_space<semaphore_mem>>)
    %dma_wait3A_397 = arith.constant 0 : i32
    %dma_wait3A_398 = arith.constant 1800 : i32
    %dma_wait3A_399 = tpu.memref_slice %arg6[%dma_wait3A_398] : memref<3000xi32, #tpu.memory_space<vmem>> -> memref<200xi32, #tpu.memory_space<vmem>>
    %dma_wait3A_400 = arith.constant 0 : i32
    %dma_wait3A_401 = arith.constant 0 : i32
    %dma_wait3A_402 = tpu.memref_slice %arg5[%dma_wait3A_400, %dma_wait3A_401] : memref<119x128xf32, #tpu.memory_space<vmem_shared>> -> memref<119x128xf32, #tpu.memory_space<vmem_shared>>
    %dma_wait3A_403 = tpu.memref_slice %arg15[%dma_wait3A_397] : memref<4x!tpu.dma_semaphore, #tpu.memory_space<semaphore_mem>> -> memref<1x!tpu.dma_semaphore, #tpu.memory_space<semaphore_mem>>
    %dma_wait3A_404 = tpu.memref_squeeze %dma_wait3A_403 : memref<1x!tpu.dma_semaphore, #tpu.memory_space<semaphore_mem>> -> memref<!tpu.dma_semaphore, #tpu.memory_space<semaphore_mem>>
    tpu.wait_indirect_dma semaphore(%dma_wait3A_404 : memref<!tpu.dma_semaphore, #tpu.memory_space<semaphore_mem>>) src(%dma_wait3A_402 : memref<119x128xf32, #tpu.memory_space<vmem_shared>>) dst(%arg7 : memref<200x128xf32, #tpu.memory_space<vmem>>)
    %add3A_405 = arith.addi %add3A_6, %select_n3A : i32
    %add3A_406 = arith.constant 1800 : i32
    %add3A_407 = arith.addi %add3A_405, %add3A_406 : i32
    %dma_start3A_408 = arith.constant 0 : i32
    %dma_start3A_409 = arith.constant 0 : i32
    %dma_start3A_410 = tpu.memref_slice %arg4[%add3A_407, %dma_start3A_409] : memref<100000x128xf32, #tpu.memory_space<hbm>> -> memref<200x128xf32, #tpu.memory_space<hbm>>
    %dma_start3A_411 = tpu.memref_slice %arg16[%dma_start3A_408] : memref<4x!tpu.dma_semaphore, #tpu.memory_space<semaphore_mem>> -> memref<1x!tpu.dma_semaphore, #tpu.memory_space<semaphore_mem>>
    %dma_start3A_412 = tpu.memref_squeeze %dma_start3A_411 : memref<1x!tpu.dma_semaphore, #tpu.memory_space<semaphore_mem>> -> memref<!tpu.dma_semaphore, #tpu.memory_space<semaphore_mem>>
    %dma_start3A_413 = arith.constant 0 : i32
    %dma_start3A_414 = tpu.memref_slice %arg4[%add3A_407, %dma_start3A_413] : memref<100000x128xf32, #tpu.memory_space<hbm>> -> memref<200x128xf32, #tpu.memory_space<hbm>>
    tpu.enqueue_dma source(%arg7 : memref<200x128xf32, #tpu.memory_space<vmem>>) target(%dma_start3A_414 : memref<200x128xf32, #tpu.memory_space<hbm>>) target_semaphore(%dma_start3A_412 : memref<!tpu.dma_semaphore, #tpu.memory_space<semaphore_mem>>)
    %add3A_415 = arith.addi %add3A_6, %select_n3A : i32
    %add3A_416 = arith.constant 1600 : i32
    %add3A_417 = arith.addi %add3A_415, %add3A_416 : i32
    %dma_wait3A_418 = arith.constant 2 : i32
    %dma_wait3A_419 = arith.constant 0 : i32
    %dma_wait3A_420 = tpu.memref_slice %arg4[%add3A_417, %dma_wait3A_419] : memref<100000x128xf32, #tpu.memory_space<hbm>> -> memref<200x128xf32, #tpu.memory_space<hbm>>
    %dma_wait3A_421 = tpu.memref_slice %arg16[%dma_wait3A_418] : memref<4x!tpu.dma_semaphore, #tpu.memory_space<semaphore_mem>> -> memref<1x!tpu.dma_semaphore, #tpu.memory_space<semaphore_mem>>
    %dma_wait3A_422 = tpu.memref_squeeze %dma_wait3A_421 : memref<1x!tpu.dma_semaphore, #tpu.memory_space<semaphore_mem>> -> memref<!tpu.dma_semaphore, #tpu.memory_space<semaphore_mem>>
    %dma_wait3A_423 = arith.constant 0 : i32
    %dma_wait3A_424 = tpu.memref_slice %arg4[%add3A_417, %dma_wait3A_423] : memref<100000x128xf32, #tpu.memory_space<hbm>> -> memref<200x128xf32, #tpu.memory_space<hbm>>
    tpu.wait_dma2 semaphore(%dma_wait3A_422 : memref<!tpu.dma_semaphore, #tpu.memory_space<semaphore_mem>>) src(%arg9 : memref<200x128xf32, #tpu.memory_space<vmem>>) dst(%dma_wait3A_424 : memref<200x128xf32, #tpu.memory_space<hbm>>)
    %dma_start3A_425 = arith.constant 2 : i32
    %dma_start3A_426 = arith.constant 2200 : i32
    %dma_start3A_427 = tpu.memref_slice %arg6[%dma_start3A_426] : memref<3000xi32, #tpu.memory_space<vmem>> -> memref<200xi32, #tpu.memory_space<vmem>>
    %dma_start3A_428 = arith.constant 0 : i32
    %dma_start3A_429 = arith.constant 0 : i32
    %dma_start3A_430 = tpu.memref_slice %arg5[%dma_start3A_428, %dma_start3A_429] : memref<119x128xf32, #tpu.memory_space<vmem_shared>> -> memref<119x128xf32, #tpu.memory_space<vmem_shared>>
    %dma_start3A_431 = tpu.memref_slice %arg15[%dma_start3A_425] : memref<4x!tpu.dma_semaphore, #tpu.memory_space<semaphore_mem>> -> memref<1x!tpu.dma_semaphore, #tpu.memory_space<semaphore_mem>>
    %dma_start3A_432 = tpu.memref_squeeze %dma_start3A_431 : memref<1x!tpu.dma_semaphore, #tpu.memory_space<semaphore_mem>> -> memref<!tpu.dma_semaphore, #tpu.memory_space<semaphore_mem>>
    tpu.enqueue_indirect_dma source(%dma_start3A_430 : memref<119x128xf32, #tpu.memory_space<vmem_shared>>) target(%arg9 : memref<200x128xf32, #tpu.memory_space<vmem>>) offsets(%dma_start3A_427 : memref<200xi32, #tpu.memory_space<vmem>>) semaphore(%dma_start3A_432 : memref<!tpu.dma_semaphore, #tpu.memory_space<semaphore_mem>>)
    %dma_wait3A_433 = arith.constant 1 : i32
    %dma_wait3A_434 = arith.constant 2000 : i32
    %dma_wait3A_435 = tpu.memref_slice %arg6[%dma_wait3A_434] : memref<3000xi32, #tpu.memory_space<vmem>> -> memref<200xi32, #tpu.memory_space<vmem>>
    %dma_wait3A_436 = arith.constant 0 : i32
    %dma_wait3A_437 = arith.constant 0 : i32
    %dma_wait3A_438 = tpu.memref_slice %arg5[%dma_wait3A_436, %dma_wait3A_437] : memref<119x128xf32, #tpu.memory_space<vmem_shared>> -> memref<119x128xf32, #tpu.memory_space<vmem_shared>>
    %dma_wait3A_439 = tpu.memref_slice %arg15[%dma_wait3A_433] : memref<4x!tpu.dma_semaphore, #tpu.memory_space<semaphore_mem>> -> memref<1x!tpu.dma_semaphore, #tpu.memory_space<semaphore_mem>>
    %dma_wait3A_440 = tpu.memref_squeeze %dma_wait3A_439 : memref<1x!tpu.dma_semaphore, #tpu.memory_space<semaphore_mem>> -> memref<!tpu.dma_semaphore, #tpu.memory_space<semaphore_mem>>
    tpu.wait_indirect_dma semaphore(%dma_wait3A_440 : memref<!tpu.dma_semaphore, #tpu.memory_space<semaphore_mem>>) src(%dma_wait3A_438 : memref<119x128xf32, #tpu.memory_space<vmem_shared>>) dst(%arg8 : memref<200x128xf32, #tpu.memory_space<vmem>>)
    %add3A_441 = arith.addi %add3A_6, %select_n3A : i32
    %add3A_442 = arith.constant 2000 : i32
    %add3A_443 = arith.addi %add3A_441, %add3A_442 : i32
    %dma_start3A_444 = arith.constant 1 : i32
    %dma_start3A_445 = arith.constant 0 : i32
    %dma_start3A_446 = tpu.memref_slice %arg4[%add3A_443, %dma_start3A_445] : memref<100000x128xf32, #tpu.memory_space<hbm>> -> memref<200x128xf32, #tpu.memory_space<hbm>>
    %dma_start3A_447 = tpu.memref_slice %arg16[%dma_start3A_444] : memref<4x!tpu.dma_semaphore, #tpu.memory_space<semaphore_mem>> -> memref<1x!tpu.dma_semaphore, #tpu.memory_space<semaphore_mem>>
    %dma_start3A_448 = tpu.memref_squeeze %dma_start3A_447 : memref<1x!tpu.dma_semaphore, #tpu.memory_space<semaphore_mem>> -> memref<!tpu.dma_semaphore, #tpu.memory_space<semaphore_mem>>
    %dma_start3A_449 = arith.constant 0 : i32
    %dma_start3A_450 = tpu.memref_slice %arg4[%add3A_443, %dma_start3A_449] : memref<100000x128xf32, #tpu.memory_space<hbm>> -> memref<200x128xf32, #tpu.memory_space<hbm>>
    tpu.enqueue_dma source(%arg8 : memref<200x128xf32, #tpu.memory_space<vmem>>) target(%dma_start3A_450 : memref<200x128xf32, #tpu.memory_space<hbm>>) target_semaphore(%dma_start3A_448 : memref<!tpu.dma_semaphore, #tpu.memory_space<semaphore_mem>>)
    %add3A_451 = arith.addi %add3A_6, %select_n3A : i32
    %add3A_452 = arith.constant 1800 : i32
    %add3A_453 = arith.addi %add3A_451, %add3A_452 : i32
    %dma_wait3A_454 = arith.constant 0 : i32
    %dma_wait3A_455 = arith.constant 0 : i32
    %dma_wait3A_456 = tpu.memref_slice %arg4[%add3A_453, %dma_wait3A_455] : memref<100000x128xf32, #tpu.memory_space<hbm>> -> memref<200x128xf32, #tpu.memory_space<hbm>>
    %dma_wait3A_457 = tpu.memref_slice %arg16[%dma_wait3A_454] : memref<4x!tpu.dma_semaphore, #tpu.memory_space<semaphore_mem>> -> memref<1x!tpu.dma_semaphore, #tpu.memory_space<semaphore_mem>>
    %dma_wait3A_458 = tpu.memref_squeeze %dma_wait3A_457 : memref<1x!tpu.dma_semaphore, #tpu.memory_space<semaphore_mem>> -> memref<!tpu.dma_semaphore, #tpu.memory_space<semaphore_mem>>
    %dma_wait3A_459 = arith.constant 0 : i32
    %dma_wait3A_460 = tpu.memref_slice %arg4[%add3A_453, %dma_wait3A_459] : memref<100000x128xf32, #tpu.memory_space<hbm>> -> memref<200x128xf32, #tpu.memory_space<hbm>>
    tpu.wait_dma2 semaphore(%dma_wait3A_458 : memref<!tpu.dma_semaphore, #tpu.memory_space<semaphore_mem>>) src(%arg7 : memref<200x128xf32, #tpu.memory_space<vmem>>) dst(%dma_wait3A_460 : memref<200x128xf32, #tpu.memory_space<hbm>>)
    %dma_start3A_461 = arith.constant 0 : i32
    %dma_start3A_462 = arith.constant 2400 : i32
    %dma_start3A_463 = tpu.memref_slice %arg6[%dma_start3A_462] : memref<3000xi32, #tpu.memory_space<vmem>> -> memref<200xi32, #tpu.memory_space<vmem>>
    %dma_start3A_464 = arith.constant 0 : i32
    %dma_start3A_465 = arith.constant 0 : i32
    %dma_start3A_466 = tpu.memref_slice %arg5[%dma_start3A_464, %dma_start3A_465] : memref<119x128xf32, #tpu.memory_space<vmem_shared>> -> memref<119x128xf32, #tpu.memory_space<vmem_shared>>
    %dma_start3A_467 = tpu.memref_slice %arg15[%dma_start3A_461] : memref<4x!tpu.dma_semaphore, #tpu.memory_space<semaphore_mem>> -> memref<1x!tpu.dma_semaphore, #tpu.memory_space<semaphore_mem>>
    %dma_start3A_468 = tpu.memref_squeeze %dma_start3A_467 : memref<1x!tpu.dma_semaphore, #tpu.memory_space<semaphore_mem>> -> memref<!tpu.dma_semaphore, #tpu.memory_space<semaphore_mem>>
    tpu.enqueue_indirect_dma source(%dma_start3A_466 : memref<119x128xf32, #tpu.memory_space<vmem_shared>>) target(%arg7 : memref<200x128xf32, #tpu.memory_space<vmem>>) offsets(%dma_start3A_463 : memref<200xi32, #tpu.memory_space<vmem>>) semaphore(%dma_start3A_468 : memref<!tpu.dma_semaphore, #tpu.memory_space<semaphore_mem>>)
    %dma_wait3A_469 = arith.constant 2 : i32
    %dma_wait3A_470 = arith.constant 2200 : i32
    %dma_wait3A_471 = tpu.memref_slice %arg6[%dma_wait3A_470] : memref<3000xi32, #tpu.memory_space<vmem>> -> memref<200xi32, #tpu.memory_space<vmem>>
    %dma_wait3A_472 = arith.constant 0 : i32
    %dma_wait3A_473 = arith.constant 0 : i32
    %dma_wait3A_474 = tpu.memref_slice %arg5[%dma_wait3A_472, %dma_wait3A_473] : memref<119x128xf32, #tpu.memory_space<vmem_shared>> -> memref<119x128xf32, #tpu.memory_space<vmem_shared>>
    %dma_wait3A_475 = tpu.memref_slice %arg15[%dma_wait3A_469] : memref<4x!tpu.dma_semaphore, #tpu.memory_space<semaphore_mem>> -> memref<1x!tpu.dma_semaphore, #tpu.memory_space<semaphore_mem>>
    %dma_wait3A_476 = tpu.memref_squeeze %dma_wait3A_475 : memref<1x!tpu.dma_semaphore, #tpu.memory_space<semaphore_mem>> -> memref<!tpu.dma_semaphore, #tpu.memory_space<semaphore_mem>>
    tpu.wait_indirect_dma semaphore(%dma_wait3A_476 : memref<!tpu.dma_semaphore, #tpu.memory_space<semaphore_mem>>) src(%dma_wait3A_474 : memref<119x128xf32, #tpu.memory_space<vmem_shared>>) dst(%arg9 : memref<200x128xf32, #tpu.memory_space<vmem>>)
    %add3A_477 = arith.addi %add3A_6, %select_n3A : i32
    %add3A_478 = arith.constant 2200 : i32
    %add3A_479 = arith.addi %add3A_477, %add3A_478 : i32
    %dma_start3A_480 = arith.constant 2 : i32
    %dma_start3A_481 = arith.constant 0 : i32
    %dma_start3A_482 = tpu.memref_slice %arg4[%add3A_479, %dma_start3A_481] : memref<100000x128xf32, #tpu.memory_space<hbm>> -> memref<200x128xf32, #tpu.memory_space<hbm>>
    %dma_start3A_483 = tpu.memref_slice %arg16[%dma_start3A_480] : memref<4x!tpu.dma_semaphore, #tpu.memory_space<semaphore_mem>> -> memref<1x!tpu.dma_semaphore, #tpu.memory_space<semaphore_mem>>
    %dma_start3A_484 = tpu.memref_squeeze %dma_start3A_483 : memref<1x!tpu.dma_semaphore, #tpu.memory_space<semaphore_mem>> -> memref<!tpu.dma_semaphore, #tpu.memory_space<semaphore_mem>>
    %dma_start3A_485 = arith.constant 0 : i32
    %dma_start3A_486 = tpu.memref_slice %arg4[%add3A_479, %dma_start3A_485] : memref<100000x128xf32, #tpu.memory_space<hbm>> -> memref<200x128xf32, #tpu.memory_space<hbm>>
    tpu.enqueue_dma source(%arg9 : memref<200x128xf32, #tpu.memory_space<vmem>>) target(%dma_start3A_486 : memref<200x128xf32, #tpu.memory_space<hbm>>) target_semaphore(%dma_start3A_484 : memref<!tpu.dma_semaphore, #tpu.memory_space<semaphore_mem>>)
    %add3A_487 = arith.addi %add3A_6, %select_n3A : i32
    %add3A_488 = arith.constant 2000 : i32
    %add3A_489 = arith.addi %add3A_487, %add3A_488 : i32
    %dma_wait3A_490 = arith.constant 1 : i32
    %dma_wait3A_491 = arith.constant 0 : i32
    %dma_wait3A_492 = tpu.memref_slice %arg4[%add3A_489, %dma_wait3A_491] : memref<100000x128xf32, #tpu.memory_space<hbm>> -> memref<200x128xf32, #tpu.memory_space<hbm>>
    %dma_wait3A_493 = tpu.memref_slice %arg16[%dma_wait3A_490] : memref<4x!tpu.dma_semaphore, #tpu.memory_space<semaphore_mem>> -> memref<1x!tpu.dma_semaphore, #tpu.memory_space<semaphore_mem>>
    %dma_wait3A_494 = tpu.memref_squeeze %dma_wait3A_493 : memref<1x!tpu.dma_semaphore, #tpu.memory_space<semaphore_mem>> -> memref<!tpu.dma_semaphore, #tpu.memory_space<semaphore_mem>>
    %dma_wait3A_495 = arith.constant 0 : i32
    %dma_wait3A_496 = tpu.memref_slice %arg4[%add3A_489, %dma_wait3A_495] : memref<100000x128xf32, #tpu.memory_space<hbm>> -> memref<200x128xf32, #tpu.memory_space<hbm>>
    tpu.wait_dma2 semaphore(%dma_wait3A_494 : memref<!tpu.dma_semaphore, #tpu.memory_space<semaphore_mem>>) src(%arg8 : memref<200x128xf32, #tpu.memory_space<vmem>>) dst(%dma_wait3A_496 : memref<200x128xf32, #tpu.memory_space<hbm>>)
    %dma_start3A_497 = arith.constant 1 : i32
    %dma_start3A_498 = arith.constant 2600 : i32
    %dma_start3A_499 = tpu.memref_slice %arg6[%dma_start3A_498] : memref<3000xi32, #tpu.memory_space<vmem>> -> memref<200xi32, #tpu.memory_space<vmem>>
    %dma_start3A_500 = arith.constant 0 : i32
    %dma_start3A_501 = arith.constant 0 : i32
    %dma_start3A_502 = tpu.memref_slice %arg5[%dma_start3A_500, %dma_start3A_501] : memref<119x128xf32, #tpu.memory_space<vmem_shared>> -> memref<119x128xf32, #tpu.memory_space<vmem_shared>>
    %dma_start3A_503 = tpu.memref_slice %arg15[%dma_start3A_497] : memref<4x!tpu.dma_semaphore, #tpu.memory_space<semaphore_mem>> -> memref<1x!tpu.dma_semaphore, #tpu.memory_space<semaphore_mem>>
    %dma_start3A_504 = tpu.memref_squeeze %dma_start3A_503 : memref<1x!tpu.dma_semaphore, #tpu.memory_space<semaphore_mem>> -> memref<!tpu.dma_semaphore, #tpu.memory_space<semaphore_mem>>
    tpu.enqueue_indirect_dma source(%dma_start3A_502 : memref<119x128xf32, #tpu.memory_space<vmem_shared>>) target(%arg8 : memref<200x128xf32, #tpu.memory_space<vmem>>) offsets(%dma_start3A_499 : memref<200xi32, #tpu.memory_space<vmem>>) semaphore(%dma_start3A_504 : memref<!tpu.dma_semaphore, #tpu.memory_space<semaphore_mem>>)
    %dma_wait3A_505 = arith.constant 0 : i32
    %dma_wait3A_506 = arith.constant 2400 : i32
    %dma_wait3A_507 = tpu.memref_slice %arg6[%dma_wait3A_506] : memref<3000xi32, #tpu.memory_space<vmem>> -> memref<200xi32, #tpu.memory_space<vmem>>
    %dma_wait3A_508 = arith.constant 0 : i32
    %dma_wait3A_509 = arith.constant 0 : i32
    %dma_wait3A_510 = tpu.memref_slice %arg5[%dma_wait3A_508, %dma_wait3A_509] : memref<119x128xf32, #tpu.memory_space<vmem_shared>> -> memref<119x128xf32, #tpu.memory_space<vmem_shared>>
    %dma_wait3A_511 = tpu.memref_slice %arg15[%dma_wait3A_505] : memref<4x!tpu.dma_semaphore, #tpu.memory_space<semaphore_mem>> -> memref<1x!tpu.dma_semaphore, #tpu.memory_space<semaphore_mem>>
    %dma_wait3A_512 = tpu.memref_squeeze %dma_wait3A_511 : memref<1x!tpu.dma_semaphore, #tpu.memory_space<semaphore_mem>> -> memref<!tpu.dma_semaphore, #tpu.memory_space<semaphore_mem>>
    tpu.wait_indirect_dma semaphore(%dma_wait3A_512 : memref<!tpu.dma_semaphore, #tpu.memory_space<semaphore_mem>>) src(%dma_wait3A_510 : memref<119x128xf32, #tpu.memory_space<vmem_shared>>) dst(%arg7 : memref<200x128xf32, #tpu.memory_space<vmem>>)
    %add3A_513 = arith.addi %add3A_6, %select_n3A : i32
    %add3A_514 = arith.constant 2400 : i32
    %add3A_515 = arith.addi %add3A_513, %add3A_514 : i32
    %dma_start3A_516 = arith.constant 0 : i32
    %dma_start3A_517 = arith.constant 0 : i32
    %dma_start3A_518 = tpu.memref_slice %arg4[%add3A_515, %dma_start3A_517] : memref<100000x128xf32, #tpu.memory_space<hbm>> -> memref<200x128xf32, #tpu.memory_space<hbm>>
    %dma_start3A_519 = tpu.memref_slice %arg16[%dma_start3A_516] : memref<4x!tpu.dma_semaphore, #tpu.memory_space<semaphore_mem>> -> memref<1x!tpu.dma_semaphore, #tpu.memory_space<semaphore_mem>>
    %dma_start3A_520 = tpu.memref_squeeze %dma_start3A_519 : memref<1x!tpu.dma_semaphore, #tpu.memory_space<semaphore_mem>> -> memref<!tpu.dma_semaphore, #tpu.memory_space<semaphore_mem>>
    %dma_start3A_521 = arith.constant 0 : i32
    %dma_start3A_522 = tpu.memref_slice %arg4[%add3A_515, %dma_start3A_521] : memref<100000x128xf32, #tpu.memory_space<hbm>> -> memref<200x128xf32, #tpu.memory_space<hbm>>
    tpu.enqueue_dma source(%arg7 : memref<200x128xf32, #tpu.memory_space<vmem>>) target(%dma_start3A_522 : memref<200x128xf32, #tpu.memory_space<hbm>>) target_semaphore(%dma_start3A_520 : memref<!tpu.dma_semaphore, #tpu.memory_space<semaphore_mem>>)
    %add3A_523 = arith.addi %add3A_6, %select_n3A : i32
    %add3A_524 = arith.constant 2200 : i32
    %add3A_525 = arith.addi %add3A_523, %add3A_524 : i32
    %dma_wait3A_526 = arith.constant 2 : i32
    %dma_wait3A_527 = arith.constant 0 : i32
    %dma_wait3A_528 = tpu.memref_slice %arg4[%add3A_525, %dma_wait3A_527] : memref<100000x128xf32, #tpu.memory_space<hbm>> -> memref<200x128xf32, #tpu.memory_space<hbm>>
    %dma_wait3A_529 = tpu.memref_slice %arg16[%dma_wait3A_526] : memref<4x!tpu.dma_semaphore, #tpu.memory_space<semaphore_mem>> -> memref<1x!tpu.dma_semaphore, #tpu.memory_space<semaphore_mem>>
    %dma_wait3A_530 = tpu.memref_squeeze %dma_wait3A_529 : memref<1x!tpu.dma_semaphore, #tpu.memory_space<semaphore_mem>> -> memref<!tpu.dma_semaphore, #tpu.memory_space<semaphore_mem>>
    %dma_wait3A_531 = arith.constant 0 : i32
    %dma_wait3A_532 = tpu.memref_slice %arg4[%add3A_525, %dma_wait3A_531] : memref<100000x128xf32, #tpu.memory_space<hbm>> -> memref<200x128xf32, #tpu.memory_space<hbm>>
    tpu.wait_dma2 semaphore(%dma_wait3A_530 : memref<!tpu.dma_semaphore, #tpu.memory_space<semaphore_mem>>) src(%arg9 : memref<200x128xf32, #tpu.memory_space<vmem>>) dst(%dma_wait3A_532 : memref<200x128xf32, #tpu.memory_space<hbm>>)
    %dma_start3A_533 = arith.constant 2 : i32
    %dma_start3A_534 = arith.constant 2800 : i32
    %dma_start3A_535 = tpu.memref_slice %arg6[%dma_start3A_534] : memref<3000xi32, #tpu.memory_space<vmem>> -> memref<200xi32, #tpu.memory_space<vmem>>
    %dma_start3A_536 = arith.constant 0 : i32
    %dma_start3A_537 = arith.constant 0 : i32
    %dma_start3A_538 = tpu.memref_slice %arg5[%dma_start3A_536, %dma_start3A_537] : memref<119x128xf32, #tpu.memory_space<vmem_shared>> -> memref<119x128xf32, #tpu.memory_space<vmem_shared>>
    %dma_start3A_539 = tpu.memref_slice %arg15[%dma_start3A_533] : memref<4x!tpu.dma_semaphore, #tpu.memory_space<semaphore_mem>> -> memref<1x!tpu.dma_semaphore, #tpu.memory_space<semaphore_mem>>
    %dma_start3A_540 = tpu.memref_squeeze %dma_start3A_539 : memref<1x!tpu.dma_semaphore, #tpu.memory_space<semaphore_mem>> -> memref<!tpu.dma_semaphore, #tpu.memory_space<semaphore_mem>>
    tpu.enqueue_indirect_dma source(%dma_start3A_538 : memref<119x128xf32, #tpu.memory_space<vmem_shared>>) target(%arg9 : memref<200x128xf32, #tpu.memory_space<vmem>>) offsets(%dma_start3A_535 : memref<200xi32, #tpu.memory_space<vmem>>) semaphore(%dma_start3A_540 : memref<!tpu.dma_semaphore, #tpu.memory_space<semaphore_mem>>)
    %dma_wait3A_541 = arith.constant 1 : i32
    %dma_wait3A_542 = arith.constant 2600 : i32
    %dma_wait3A_543 = tpu.memref_slice %arg6[%dma_wait3A_542] : memref<3000xi32, #tpu.memory_space<vmem>> -> memref<200xi32, #tpu.memory_space<vmem>>
    %dma_wait3A_544 = arith.constant 0 : i32
    %dma_wait3A_545 = arith.constant 0 : i32
    %dma_wait3A_546 = tpu.memref_slice %arg5[%dma_wait3A_544, %dma_wait3A_545] : memref<119x128xf32, #tpu.memory_space<vmem_shared>> -> memref<119x128xf32, #tpu.memory_space<vmem_shared>>
    %dma_wait3A_547 = tpu.memref_slice %arg15[%dma_wait3A_541] : memref<4x!tpu.dma_semaphore, #tpu.memory_space<semaphore_mem>> -> memref<1x!tpu.dma_semaphore, #tpu.memory_space<semaphore_mem>>
    %dma_wait3A_548 = tpu.memref_squeeze %dma_wait3A_547 : memref<1x!tpu.dma_semaphore, #tpu.memory_space<semaphore_mem>> -> memref<!tpu.dma_semaphore, #tpu.memory_space<semaphore_mem>>
    tpu.wait_indirect_dma semaphore(%dma_wait3A_548 : memref<!tpu.dma_semaphore, #tpu.memory_space<semaphore_mem>>) src(%dma_wait3A_546 : memref<119x128xf32, #tpu.memory_space<vmem_shared>>) dst(%arg8 : memref<200x128xf32, #tpu.memory_space<vmem>>)
    %add3A_549 = arith.addi %add3A_6, %select_n3A : i32
    %add3A_550 = arith.constant 2600 : i32
    %add3A_551 = arith.addi %add3A_549, %add3A_550 : i32
    %dma_start3A_552 = arith.constant 1 : i32
    %dma_start3A_553 = arith.constant 0 : i32
    %dma_start3A_554 = tpu.memref_slice %arg4[%add3A_551, %dma_start3A_553] : memref<100000x128xf32, #tpu.memory_space<hbm>> -> memref<200x128xf32, #tpu.memory_space<hbm>>
    %dma_start3A_555 = tpu.memref_slice %arg16[%dma_start3A_552] : memref<4x!tpu.dma_semaphore, #tpu.memory_space<semaphore_mem>> -> memref<1x!tpu.dma_semaphore, #tpu.memory_space<semaphore_mem>>
    %dma_start3A_556 = tpu.memref_squeeze %dma_start3A_555 : memref<1x!tpu.dma_semaphore, #tpu.memory_space<semaphore_mem>> -> memref<!tpu.dma_semaphore, #tpu.memory_space<semaphore_mem>>
    %dma_start3A_557 = arith.constant 0 : i32
    %dma_start3A_558 = tpu.memref_slice %arg4[%add3A_551, %dma_start3A_557] : memref<100000x128xf32, #tpu.memory_space<hbm>> -> memref<200x128xf32, #tpu.memory_space<hbm>>
    tpu.enqueue_dma source(%arg8 : memref<200x128xf32, #tpu.memory_space<vmem>>) target(%dma_start3A_558 : memref<200x128xf32, #tpu.memory_space<hbm>>) target_semaphore(%dma_start3A_556 : memref<!tpu.dma_semaphore, #tpu.memory_space<semaphore_mem>>)
    %dma_wait3A_559 = arith.constant 2 : i32
    %dma_wait3A_560 = arith.constant 2800 : i32
    %dma_wait3A_561 = tpu.memref_slice %arg6[%dma_wait3A_560] : memref<3000xi32, #tpu.memory_space<vmem>> -> memref<200xi32, #tpu.memory_space<vmem>>
    %dma_wait3A_562 = arith.constant 0 : i32
    %dma_wait3A_563 = arith.constant 0 : i32
    %dma_wait3A_564 = tpu.memref_slice %arg5[%dma_wait3A_562, %dma_wait3A_563] : memref<119x128xf32, #tpu.memory_space<vmem_shared>> -> memref<119x128xf32, #tpu.memory_space<vmem_shared>>
    %dma_wait3A_565 = tpu.memref_slice %arg15[%dma_wait3A_559] : memref<4x!tpu.dma_semaphore, #tpu.memory_space<semaphore_mem>> -> memref<1x!tpu.dma_semaphore, #tpu.memory_space<semaphore_mem>>
    %dma_wait3A_566 = tpu.memref_squeeze %dma_wait3A_565 : memref<1x!tpu.dma_semaphore, #tpu.memory_space<semaphore_mem>> -> memref<!tpu.dma_semaphore, #tpu.memory_space<semaphore_mem>>
    tpu.wait_indirect_dma semaphore(%dma_wait3A_566 : memref<!tpu.dma_semaphore, #tpu.memory_space<semaphore_mem>>) src(%dma_wait3A_564 : memref<119x128xf32, #tpu.memory_space<vmem_shared>>) dst(%arg9 : memref<200x128xf32, #tpu.memory_space<vmem>>)
    %add3A_567 = arith.addi %add3A_6, %select_n3A : i32
    %add3A_568 = arith.constant 2800 : i32
    %add3A_569 = arith.addi %add3A_567, %add3A_568 : i32
    %dma_start3A_570 = arith.constant 2 : i32
    %dma_start3A_571 = arith.constant 0 : i32
    %dma_start3A_572 = tpu.memref_slice %arg4[%add3A_569, %dma_start3A_571] : memref<100000x128xf32, #tpu.memory_space<hbm>> -> memref<200x128xf32, #tpu.memory_space<hbm>>
    %dma_start3A_573 = tpu.memref_slice %arg16[%dma_start3A_570] : memref<4x!tpu.dma_semaphore, #tpu.memory_space<semaphore_mem>> -> memref<1x!tpu.dma_semaphore, #tpu.memory_space<semaphore_mem>>
    %dma_start3A_574 = tpu.memref_squeeze %dma_start3A_573 : memref<1x!tpu.dma_semaphore, #tpu.memory_space<semaphore_mem>> -> memref<!tpu.dma_semaphore, #tpu.memory_space<semaphore_mem>>
    %dma_start3A_575 = arith.constant 0 : i32
    %dma_start3A_576 = tpu.memref_slice %arg4[%add3A_569, %dma_start3A_575] : memref<100000x128xf32, #tpu.memory_space<hbm>> -> memref<200x128xf32, #tpu.memory_space<hbm>>
    tpu.enqueue_dma source(%arg9 : memref<200x128xf32, #tpu.memory_space<vmem>>) target(%dma_start3A_576 : memref<200x128xf32, #tpu.memory_space<hbm>>) target_semaphore(%dma_start3A_574 : memref<!tpu.dma_semaphore, #tpu.memory_space<semaphore_mem>>)
    %convert_element_type3A_577 = arith.extui %lt3A_10 : i1 to i32
    %cond3A_578 = arith.constant 0 : i32
    %cond3A_579 = arith.cmpi ne, %convert_element_type3A_577, %cond3A_578 : i32
    scf.if %cond3A_579 {
      %dma_wait3A_615 = arith.constant 3 : i32
      %dma_wait3A_616 = arith.constant 0 : i32
      %dma_wait3A_617 = tpu.memref_slice %arg4[%add3A_6, %dma_wait3A_616] : memref<100000x128xf32, #tpu.memory_space<hbm>> -> memref<128x128xf32, #tpu.memory_space<hbm>>
      %dma_wait3A_618 = tpu.memref_slice %arg16[%dma_wait3A_615] : memref<4x!tpu.dma_semaphore, #tpu.memory_space<semaphore_mem>> -> memref<1x!tpu.dma_semaphore, #tpu.memory_space<semaphore_mem>>
      %dma_wait3A_619 = tpu.memref_squeeze %dma_wait3A_618 : memref<1x!tpu.dma_semaphore, #tpu.memory_space<semaphore_mem>> -> memref<!tpu.dma_semaphore, #tpu.memory_space<semaphore_mem>>
      %dma_wait3A_620 = arith.constant 0 : i32
      %dma_wait3A_621 = tpu.memref_slice %arg4[%add3A_6, %dma_wait3A_620] : memref<100000x128xf32, #tpu.memory_space<hbm>> -> memref<128x128xf32, #tpu.memory_space<hbm>>
      tpu.wait_dma2 semaphore(%dma_wait3A_619 : memref<!tpu.dma_semaphore, #tpu.memory_space<semaphore_mem>>) src(%arg11 : memref<128x128xf32, #tpu.memory_space<vmem>>) dst(%dma_wait3A_621 : memref<128x128xf32, #tpu.memory_space<hbm>>)
    } else {
    }
    %not3A_580 = arith.constant true
    %not3A_581 = arith.xori %lt3A_10, %not3A_580 : i1
    %convert_element_type3A_582 = arith.extui %not3A_581 : i1 to i32
    %cond3A_583 = arith.constant 0 : i32
    %cond3A_584 = arith.cmpi ne, %convert_element_type3A_582, %cond3A_583 : i32
    scf.if %cond3A_584 {
      %dma_wait3A_615 = arith.constant 3 : i32
      %dma_wait3A_616 = arith.constant 0 : i32
      %dma_wait3A_617 = tpu.memref_slice %arg4[%add3A_6, %dma_wait3A_616] : memref<100000x128xf32, #tpu.memory_space<hbm>> -> memref<120x128xf32, #tpu.memory_space<hbm>>
      %dma_wait3A_618 = tpu.memref_slice %arg16[%dma_wait3A_615] : memref<4x!tpu.dma_semaphore, #tpu.memory_space<semaphore_mem>> -> memref<1x!tpu.dma_semaphore, #tpu.memory_space<semaphore_mem>>
      %dma_wait3A_619 = tpu.memref_squeeze %dma_wait3A_618 : memref<1x!tpu.dma_semaphore, #tpu.memory_space<semaphore_mem>> -> memref<!tpu.dma_semaphore, #tpu.memory_space<semaphore_mem>>
      %dma_wait3A_620 = arith.constant 0 : i32
      %dma_wait3A_621 = tpu.memref_slice %arg4[%add3A_6, %dma_wait3A_620] : memref<100000x128xf32, #tpu.memory_space<hbm>> -> memref<120x128xf32, #tpu.memory_space<hbm>>
      tpu.wait_dma2 semaphore(%dma_wait3A_619 : memref<!tpu.dma_semaphore, #tpu.memory_space<semaphore_mem>>) src(%arg13 : memref<120x128xf32, #tpu.memory_space<vmem>>) dst(%dma_wait3A_621 : memref<120x128xf32, #tpu.memory_space<hbm>>)
    } else {
    }
    %add3A_585 = arith.addi %add3A_6, %select_n3A : i32
    %add3A_586 = arith.constant 2400 : i32
    %add3A_587 = arith.addi %add3A_585, %add3A_586 : i32
    %dma_wait3A_588 = arith.constant 0 : i32
    %dma_wait3A_589 = arith.constant 0 : i32
    %dma_wait3A_590 = tpu.memref_slice %arg4[%add3A_587, %dma_wait3A_589] : memref<100000x128xf32, #tpu.memory_space<hbm>> -> memref<200x128xf32, #tpu.memory_space<hbm>>
    %dma_wait3A_591 = tpu.memref_slice %arg16[%dma_wait3A_588] : memref<4x!tpu.dma_semaphore, #tpu.memory_space<semaphore_mem>> -> memref<1x!tpu.dma_semaphore, #tpu.memory_space<semaphore_mem>>
    %dma_wait3A_592 = tpu.memref_squeeze %dma_wait3A_591 : memref<1x!tpu.dma_semaphore, #tpu.memory_space<semaphore_mem>> -> memref<!tpu.dma_semaphore, #tpu.memory_space<semaphore_mem>>
    %dma_wait3A_593 = arith.constant 0 : i32
    %dma_wait3A_594 = tpu.memref_slice %arg4[%add3A_587, %dma_wait3A_593] : memref<100000x128xf32, #tpu.memory_space<hbm>> -> memref<200x128xf32, #tpu.memory_space<hbm>>
    tpu.wait_dma2 semaphore(%dma_wait3A_592 : memref<!tpu.dma_semaphore, #tpu.memory_space<semaphore_mem>>) src(%arg7 : memref<200x128xf32, #tpu.memory_space<vmem>>) dst(%dma_wait3A_594 : memref<200x128xf32, #tpu.memory_space<hbm>>)
    %add3A_595 = arith.addi %add3A_6, %select_n3A : i32
    %add3A_596 = arith.constant 2600 : i32
    %add3A_597 = arith.addi %add3A_595, %add3A_596 : i32
    %dma_wait3A_598 = arith.constant 1 : i32
    %dma_wait3A_599 = arith.constant 0 : i32
    %dma_wait3A_600 = tpu.memref_slice %arg4[%add3A_597, %dma_wait3A_599] : memref<100000x128xf32, #tpu.memory_space<hbm>> -> memref<200x128xf32, #tpu.memory_space<hbm>>
    %dma_wait3A_601 = tpu.memref_slice %arg16[%dma_wait3A_598] : memref<4x!tpu.dma_semaphore, #tpu.memory_space<semaphore_mem>> -> memref<1x!tpu.dma_semaphore, #tpu.memory_space<semaphore_mem>>
    %dma_wait3A_602 = tpu.memref_squeeze %dma_wait3A_601 : memref<1x!tpu.dma_semaphore, #tpu.memory_space<semaphore_mem>> -> memref<!tpu.dma_semaphore, #tpu.memory_space<semaphore_mem>>
    %dma_wait3A_603 = arith.constant 0 : i32
    %dma_wait3A_604 = tpu.memref_slice %arg4[%add3A_597, %dma_wait3A_603] : memref<100000x128xf32, #tpu.memory_space<hbm>> -> memref<200x128xf32, #tpu.memory_space<hbm>>
    tpu.wait_dma2 semaphore(%dma_wait3A_602 : memref<!tpu.dma_semaphore, #tpu.memory_space<semaphore_mem>>) src(%arg8 : memref<200x128xf32, #tpu.memory_space<vmem>>) dst(%dma_wait3A_604 : memref<200x128xf32, #tpu.memory_space<hbm>>)
    %add3A_605 = arith.addi %add3A_6, %select_n3A : i32
    %add3A_606 = arith.constant 2800 : i32
    %add3A_607 = arith.addi %add3A_605, %add3A_606 : i32
    %dma_wait3A_608 = arith.constant 2 : i32
    %dma_wait3A_609 = arith.constant 0 : i32
    %dma_wait3A_610 = tpu.memref_slice %arg4[%add3A_607, %dma_wait3A_609] : memref<100000x128xf32, #tpu.memory_space<hbm>> -> memref<200x128xf32, #tpu.memory_space<hbm>>
    %dma_wait3A_611 = tpu.memref_slice %arg16[%dma_wait3A_608] : memref<4x!tpu.dma_semaphore, #tpu.memory_space<semaphore_mem>> -> memref<1x!tpu.dma_semaphore, #tpu.memory_space<semaphore_mem>>
    %dma_wait3A_612 = tpu.memref_squeeze %dma_wait3A_611 : memref<1x!tpu.dma_semaphore, #tpu.memory_space<semaphore_mem>> -> memref<!tpu.dma_semaphore, #tpu.memory_space<semaphore_mem>>
    %dma_wait3A_613 = arith.constant 0 : i32
    %dma_wait3A_614 = tpu.memref_slice %arg4[%add3A_607, %dma_wait3A_613] : memref<100000x128xf32, #tpu.memory_space<hbm>> -> memref<200x128xf32, #tpu.memory_space<hbm>>
    tpu.wait_dma2 semaphore(%dma_wait3A_612 : memref<!tpu.dma_semaphore, #tpu.memory_space<semaphore_mem>>) src(%arg9 : memref<200x128xf32, #tpu.memory_space<vmem>>) dst(%dma_wait3A_614 : memref<200x128xf32, #tpu.memory_space<hbm>>)
    return
  }
}

</mosaic_0001>

<sc_bundles>
// kernel: kernel.3.cloned.1.call-start
scs
__scs_entry_jumppad:
0x0: {  	(pc) =	sbr.rel $0x88, $3  }
0x1: {  	(tag) =	ssettag $0x0;
	lr =	simm.s32 $0x1  }
0x2: {  	[smem:$0x3F9F] =	sst lr;
	_ =	strace $0xD0000000  }
0x3: {  	_ = 	snop  }
0x4: {  	_ = 	snop  }
0x5: {  	_ = 	snop  }
0x6: {  	_ = 	snop  }
0x7: {  	_ = 	snop  }
__scs_overlays_trampoline_lowered:
0x8: {  	[smem:$0x3FAE] =	sst s0  }
0x9: {  	[smem:$0x3FAF] =	sst s1  }
0xa: {  	[smem:$0x3FB0] =	sst s2  }
0xb: {  	[smem:$0x3FB1] =	sst s3  }
0xc: {  	[smem:$0x3FB2] =	sst s4  }
0xd: {  	[smem:$0x3FB3] =	sst s5  }
0xe: {  	[smem:$0x3FB4] =	sst s6  }
0xf: {  	[smem:$0x3FB5] =	sst s7  }
0x10: {  	[smem:$0x3FB6] =	sst s8  }
0x11: {  	[smem:$0x3FB7] =	sst s9;
	s0 =	simm.s32 @!p0 $0x0  }
0x12: {  	s1 =	sld [smem:$0x3F9D];
	s0 =	simm.s32 @p0 $0x1  }
0x13: {  	[smem:$0x3FB8] =	sst s0;
	s0 =	simm.s32 @!p1 $0x0  }
0x14: {  	s2 =	sld [smem:$0x3F9C];
	s0 =	simm.s32 @p1 $0x1  }
0x15: {  	[smem:$0x3FB9] =	sst s0;
	s0 =	simm.s32 @!p2 $0x0  }
0x16: {  	s3 =	sld [smem:$0x3FDB];
	s0 =	simm.s32 @p2 $0x1  }
0x17: {  	s4 =	simm.s32 $0x1BF5;
	[smem:$0x3FBB] =	sst s0  }
0x18: {  	s0 =	sld [smem:$0x3F9E];
	_ =	swait.ge [sflag:s4], $0x0  }
0x19: {  	s7 =	sld [smem:$0x3F9F]  }
0x1a: {  	s8 =	sadd.s32 $0xFFFFE003, lr  }
0x1b: {  	s9 =	sadd.s32 $0xFFFFFEF7, lr;
	s5 =	simm.s32 $0xFFFFFFFF;
	p2 =	slt.u32 s8, $0xFFFFF086  }
0x1c: {  	p1 =	slt.u32 s9, $0xF7A;
	s5 =	simm.s32 @!p2 $0x0  }
0x1d: {  	s5 =	simm.s32 @p1 $0x1;
	p0 =	seq.s32 s7, s2  }
0x1e: {  	s7 =	smul.u32 @!p0 $0xF7A, s2;
	p2 =	seq.s32 @!p0 s5, $0x0  }
0x1f: {  	s9 =	smul.u32 $0xF7A, s1;
	s8 =	simm.s32 @!p0 $0x1BF5;
	p2 =	por !p2, p0  }
0x20: {  	[sflag:s8] =	ssyncset.s32 @!p0 $0xFFFFF086;
	s6 =	sadd.s32 @!p0 s3, s7;
	s7 =	simm.s32 @!p0 $0x108  }
0x21: {  	s3 =	sadd.s32 s3, s9;
	s6 =	sadd.s32 @!p0 $0x88, s6;
	s7 =	simm.s32 @p2 $0x1082  }
0x22: {  	[simem:s7], [sflag:s8] =	dma.local @!p0 [hbm:s6], $0xF7A  }
0x23: {  	s9 =	sor.u32 $0xD0000000, s2;
	s6 =	simm.s32 $0x108;
	_ =	swait.ge @!p0 [sflag:s8], $0x0  }
0x24: {  	s3 =	sadd.s32 $0x88, s3;
	s6 =	simm.s32 @!p1 $0x1082;
	[sflag:s4] =	ssyncset.s32 $0xFFFFF086  }
0x25: {  	[simem:s6], [sflag:s4] =	dma.local [hbm:s3], $0xF7A  }
0x26: {  	[smem:$0x3F9F] =	sst s1;
	(tag) =	ssettag s2;
	_ =	strace s9  }
0x27: {  	s1 =	sld [smem:$0x3FAF]  }
0x28: {  	s2 =	sld [smem:$0x3FB0]  }
0x29: {  	s4 =	sld [smem:$0x3FB2]  }
0x2a: {  	p0 =	seq.s32 s5, $0x0;
	s5 =	sld [smem:$0x3FB3]  }
0x2b: {  	s6 =	sld [smem:$0x3FB4]  }
0x2c: {  	s7 =	sld [smem:$0x3FB5]  }
0x2d: {  	s3 =	simm.s32 $0x108;
	s8 =	sld [smem:$0x3FB6]  }
0x2e: {  	s3 =	simm.s32 @!p0 $0x1082;
	s9 =	sld [smem:$0x3FB7]  }
0x2f: {  	lr =	sadd.s32 s0, s3;
	s0 =	sld [smem:$0x3FAE]  }
0x30: {  	s3 =	sld [smem:$0x3FB1]  }
0x31: {  	[smem:$0x3FBA] =	sst s10  }
0x32: {  	s10 =	sld [smem:$0x3FB8];
	_ =	sdelay $0x3  }
0x33: {  	p0 =	seq.s32 s10, $0x1;
	s10 =	sld [smem:$0x3FBA];
	_ =	sdelay $0x3  }
0x34: {  	[smem:$0x3FBA] =	sst s10  }
0x35: {  	s10 =	sld [smem:$0x3FB9];
	_ =	sdelay $0x3  }
0x36: {  	p1 =	seq.s32 s10, $0x1;
	s10 =	sld [smem:$0x3FBA];
	_ =	sdelay $0x3  }
0x37: {  	[smem:$0x3FBA] =	sst s10  }
0x38: {  	s10 =	sld [smem:$0x3FBB]  }
0x39: {  	_ = 	snop;
	(pc) =	sbr.ind lr, $3  }
0x3a: {  	_ = 	snop  }
0x3b: {  	_ = 	snop  }
0x3c: {  	p2 =	seq.s32 s10, $0x1;
	s10 =	sld [smem:$0x3FBA]  }
0x3d: {  	_ =	shalt  }
0x3e: {  	_ =	shalt  }
0x3f: {  	_ =	shalt  }
0x40: {  	_ =	shalt  }
0x41: {  	_ =	shalt  }
0x42: {  	_ =	shalt  }
0x43: {  	_ =	shalt  }
0x44: {  	_ =	shalt  }
0x45: {  	_ =	shalt  }
0x46: {  	_ =	shalt  }
0x47: {  	_ =	shalt  }
0x48: {  	_ =	shalt  }
0x49: {  	_ =	shalt  }
0x4a: {  	_ =	shalt  }
0x4b: {  	_ =	shalt  }
0x4c: {  	_ =	shalt  }
0x4d: {  	_ =	shalt  }
0x4e: {  	_ =	shalt  }
0x4f: {  	_ =	shalt  }
0x50: {  	_ =	shalt  }
0x51: {  	_ =	shalt  }
0x52: {  	_ =	shalt  }
0x53: {  	_ =	shalt  }
0x54: {  	_ =	shalt  }
0x55: {  	_ =	shalt  }
0x56: {  	_ =	shalt  }
0x57: {  	_ =	shalt  }
0x58: {  	_ =	shalt  }
0x59: {  	_ =	shalt  }
0x5a: {  	_ =	shalt  }
0x5b: {  	_ =	shalt  }
0x5c: {  	_ =	shalt  }
0x5d: {  	_ =	shalt  }
0x5e: {  	_ =	shalt  }
0x5f: {  	_ =	shalt  }
0x60: {  	_ =	shalt  }
0x61: {  	_ =	shalt  }
0x62: {  	_ =	shalt  }
0x63: {  	_ =	shalt  }
0x64: {  	_ =	shalt  }
0x65: {  	_ =	shalt  }
0x66: {  	_ =	shalt  }
0x67: {  	_ =	shalt  }
0x68: {  	_ =	shalt  }
0x69: {  	_ =	shalt  }
0x6a: {  	_ =	shalt  }
0x6b: {  	_ =	shalt  }
0x6c: {  	_ =	shalt  }
0x6d: {  	_ =	shalt  }
0x6e: {  	_ =	shalt  }
0x6f: {  	_ =	shalt  }
0x70: {  	_ =	shalt  }
0x71: {  	_ =	shalt  }
0x72: {  	_ =	shalt  }
0x73: {  	_ =	shalt  }
0x74: {  	_ =	shalt  }
0x75: {  	_ =	shalt  }
0x76: {  	_ =	shalt  }
0x77: {  	_ =	shalt  }
0x78: {  	_ =	shalt  }
0x79: {  	_ =	shalt  }
0x7a: {  	_ =	shalt  }
0x7b: {  	_ =	shalt  }
0x7c: {  	_ =	shalt  }
0x7d: {  	_ =	shalt  }
0x7e: {  	_ =	shalt  }
0x7f: {  	_ =	shalt  }
0x80: {  	_ =	shalt  }
0x81: {  	_ =	shalt  }
0x82: {  	_ =	shalt  }
0x83: {  	_ =	shalt  }
0x84: {  	_ =	shalt  }
0x85: {  	_ =	shalt  }
0x86: {  	_ =	shalt  }
0x87: {  	_ =	shalt  }
.Lfunc_end0:
.L_simem_size_0:
called_computation_lowered:
.L_overlay_start_0:
0x88: {  	s2 =	sld [smem:$0x3FD9]  }
0x89: {  	s3 =	sld [smem:$0x3FFE];
	_ =	sdelay $0x1  }
0x8a: {  	s1 =	srdreg.scid  }
0x8b: {  	s0 =	sand.u32 $0x1, s1  }
0x8c: {  	s17 =	sshll.u32 s0, $0xA;
	s2 =	sadd.s32 s3, s2  }
0x8d: {  	s2 =	sadd.s32 s2, s17  }
0x8e: {  	[smem:$0x3FC6] =	sst s2  }
0x8f: {  	_ = 	snop  }
0x90: {  	s2 =	sld [smem:$0x3FC8]  }
0x91: {  	s18 =	sld [smem:$0x3FD0];
	(tm) =	ssettm $0x1  }
0x92: {  	s4 =	sld [smem:$0x3FFB];
	_ =	sdelay $0x3  }
0x93: {  	_ =	strace s4  }
0x94: {  	s4 =	sld [smem:$0x3FFC];
	_ =	sdelay $0x3  }
0x95: {  	_ =	strace s4  }
0x96: {  	s4 =	sld [smem:$0x3FFD];
	_ =	sdelay $0x3  }
0x97: {  	_ =	strace s4  }
0x98: {  	_ =	strace $0x8FFFFFFF  }
0x99: {  	s19 =	sld [smem:$0x3FDB];
	_ =	sdelay $0x1  }
0x9a: {  	s5 =	simm.s32 $_scs_section_size  }
0x9b: {  	s6 =	simm.s32 $_size__tile_overlayer_lowered;
	s7 =	simm.s32 $_tile_overlayer_lowered  }
0x9c: {  	s22 =	simm.s32 $0x1BFF;
	s21 =	sshll.u32 s7, $0x1;
	s4 =	sadd.s32 s5, s19  }
0x9d: {  	s8 =	simm.s32 $0x0;
	s20 =	sshll.u32 s6, $0x1;
	s6 =	sadd.s32 s21, s4  }
0x9e: {  	[timem:s8], [sflag:s22] =	dma.local [hbm:s6], s20  }
0x9f: {  	_ =	swait.ge [sflag:s22], s20  }
0xa0: {  	s5 =	ssub.s32 $0x0, s20;
	[sflag:s22] =	ssyncset.done $0x0  }
0xa1: {  	[sflag:s22] =	ssyncadd.s32 s5;
	_ =	sdelay $0x1  }
0xa2: {  	s23 =	simm.s32 $0x1B8B  }
0xa3: {  	_ =	swait.ge [sflag:s23], $0x1  }
0xa4: {  	[sflag:s23] =	ssyncset.done $0x0  }
0xa5: {  	s25 =	simm.s32 $0x1B8E;
	s24 =	sld [smem:$0x3FFE];
	[sflag:s23] =	ssyncadd.s32 $0xFFFFFFFF  }
0xa6: {  	s26 =	simm.s32 $execute0_lowered;
	[smem:$0x3FD2] =	sst s25  }
0xa7: {  	s6 =	sshll.u32 s26, $0x1;
	_ =	strace $0x80000046;
	[dreg:$0x1] =	wrdreg $0xFFFFFFFF  }
0xa8: {  	s28 =	simm.s32 $_size_execute0_lowered;
	s4 =	sadd.s32 s4, s6;
	[dreg:$0x0] =	wrdreg $0x0  }
0xa9: {  	s6 =	sshll.u32 s28, $0x1;
	[dreg:$0x2] =	wrdreg s4  }
0xaa: {  	[dreg:$0x3] =	wrdreg s6  }
0xab: {  	[dreg:$0x4] =	wrdreg $0xC0  }
0xac: {  	_ =	task [dreg:s8], $0x5FFFF  }
0xad: {  	[dreg:$0x1] =	wrdreg $0xFFFFFFFF  }
0xae: {  	[dreg:$0x0] =	wrdreg $0x60  }
0xaf: {  	[dreg:$0x2] =	wrdreg s2  }
0xb0: {  	[dreg:$0x3] =	wrdreg s24  }
0xb1: {  	[dreg:$0x4] =	wrdreg s18  }
0xb2: {  	[dreg:$0x5] =	wrdreg $0x0  }
0xb3: {  	[dreg:$0x6] =	wrdreg $0x9  }
0xb4: {  	_ =	task.clear_ibuf [dreg:s8], $0x7FFFF;
	_ =	strace $0x90000046  }
0xb5: {  	s29 =	simm.s32 $0x9;
	_ =	strace $0x80000048  }
0xb6: {  	_ =	swait.ge [sflag:s29], $0x1  }
0xb7: {  	[sflag:s29] =	ssyncadd.s32 $0xFFFFFFFF  }
0xb8: {  	_ =	strace $0x90000048  }
0xb9: {  	_ =	sfence  }
0xba: {  	s30 =	sld [smem:$0x0];
	_ =	sdelay $0x2  }
0xbb: {  	s31 =	sshll.u32 s1, $0xD;
	s1 =	sshrl.u32 s1, $0x2  }
0xbc: {  	s3 =	sand.u32 $0x4000, s31;
	s1 =	sadd.s32 s1, s30  }
0xbd: {  	s0 =	sor.u32 s3, s0;
	s1 =	sshll.u32 s1, $0x11  }
0xbe: {  	s0 =	sor.u32 s1, s0  }
0xbf: {  	s0 =	sadd.s32 $0x8F2B, s0  }
0xc0: {  	[sflag:s0] =	ssyncadd.remote.s32 $0x1  }
0xc1: {  	_ =	sfence.sel $0xFFFF  }
0xc2: {  	[dreg:$0x0] =	wrdreg $0xFFFFFFFF;
	(pc) =	sbr.abs _section_cstart, $3  }
0xc3: {  	[dreg:$0x1] =	wrdreg $0xFFFFFFFF  }
0xc4: {  	_ =	task.clear_ibuf [dreg:s8], $0x2FFFF;
	_ =	strace $0x9FFFFFFF  }
0xc5: {  	(tm) =	ssettm $0x7FFFFFFF  }
tec
execute0_lowered:
.L_overlay_start_1:
0x0: {  	(tag) =	ssettag $0x1  }
0x1: {  	s0 =	rddreg [dreg:$0x0]  }
0x2: {  	s1 =	rddreg [dreg:$0x1]  }
0x3: {  	s5 =	rddreg [dreg:$0x2]  }
0x4: {  	s2 =	rddreg [dreg:$0x3]  }
0x5: {  	s4 =	srdreg.scid;
	s11 =	stileid.u32  }
0x6: {  	s3 =	simm.s32 $0x0;
	s8 =	simm.s32 $0x78;
	s29 =	simm.s32 $0x3B8  }
0x7: {  	s31 =	simm.s32 $0x2;
	s28 =	simm.s32 $0x1;
	s30 =	simm.s32 $0x7  }
0x8: {  	s4 =	sand.u32 $0x1, s4;
	s6 =	sshll.u32 s11, $0x1;
	[smem:$0x7FF] =	sst s3  }
0x9: {  	p0 =	sgt.u32 s11, $0x9;
	s18 =	sadd.s32 $0x700, s0;
	s19 =	sshll.u32 s11, $0xA  }
0xa: {  	s20 =	sshll.u32 s11, $0x7;
	p1 =	slt.u32 s11, $0xE;
	p2 =	sne.s32 s11, $0xE  }
0xb: {  	s6 =	sor.u32 s4, s6;
	_ =	strace $0x80000047;
	s4 =	ssub.s32 $0x2, s4  }
0xc: {  	s8 =	simm.s32 @!p0 $0x80;
	[dreg:$0x6] =	wrdreg s18;
	s0 =	sadd.s32 s0, s20  }
0xd: {  	s7 =	smul.u32 $0xC30, s6;
	s6 =	smin.u32 s6, $0x14;
	s16 =	sshrl.u32 s4, $0x1  }
0xe: {  	[dreg:$0x7] =	wrdreg s0;
	s0 =	sadd.s32 $0x3800, s2;
	s6 =	sshll.u32 s6, $0x3  }
0xf: {  	s0 =	sshrl.u32 @!p2 s0, $0x3;
	s6 =	sadd.s32 s7, s6;
	s7 =	ssub.s32 s4, s16  }
0x10: {  	[dreg:$0xd] =	wrdreg s0;
	s0 =	simm.s32 $0xC8;
	s9 =	sshrl.u32 s6, $0x3  }
0x11: {  	s8 =	sadd.s32 s8, s6;
	s21 =	sshll.u32 s6, $0x4;
	s6 =	simm.s32 $0xD7B8  }
0x12: {  	s4 =	sadd.s32 s1, s9;
	s17 =	sshrl.u32 s8, $0x3;
	s10 =	sshll.u32 s8, $0x4  }
0x13: {  	s8 =	sadd.s32 s5, s21;
	s9 =	simm.s32 $0x8;
	s1 =	sadd.s32 s1, s17  }
0x14: {  	s22 =	sand.u32 $0x1FFFFF80, s10;
	s23 =	sadd.s32 s5, s10;
	s10 =	simm.s32 $0x9  }
0x15: {  	[dreg:$0x5] =	wrdreg s1;
	s1 =	sadd.s32 s19, s2;
	s24 =	sadd.s32 s5, s22  }
0x16: {  	[dreg:$0x8] =	wrdreg s23;
	s5 =	sadd.s32 $0xC80, s24;
	s25 =	sadd.s32 $0x1900, s24  }
0x17: {  	s26 =	sadd.s32 $0x2580, s24;
	s13 =	sadd.s32 $0x3200, s24;
	s14 =	sadd.s32 $0x3E80, s24  }
0x18: {  	s15 =	sadd.s32 $0x4B00, s24;
	s16 =	sadd.s32 $0x5780, s24;
	s17 =	sadd.s32 $0x6400, s24  }
0x19: {  	s18 =	sadd.s32 $0x7080, s24;
	s19 =	sadd.s32 $0x7D00, s24;
	s20 =	sadd.s32 $0x8980, s24  }
.Ltmp0:
0x1a: {  	s21 =	sadd.s32 $0x9600, s24;
	[dreg:$0x9] =	wrdreg s5;
	(pc) =	sbr.rel .LBB2_1-.Ltmp0, $4  }
0x1b: {  	s22 =	sadd.s32 $0xA280, s24;
	s23 =	sadd.s32 $0xAF00, s24;
	[dreg:$0xa] =	wrdreg s25  }
0x1c: {  	s24 =	smax.u32 s7, $0x1;
	s1 =	sshrl.u32 s1, $0x3;
	[dreg:$0xb] =	wrdreg s26  }
0x1d: {  	s7 =	simm.s32 $0x73B8;
	[dreg:$0xc] =	wrdreg s1;
	s1 =	simm.s32 $0xFB8  }
0x1e: {  	s25 =	simm.s32 $0x3;
	s26 =	simm.s32 $0x4;
	s5 =	simm.s32 $0x5  }
.LBB2_5:
0x1f: {  	_ =	swait.ge [sflag:s31], $0x80  }
0x20: {  	s11 =	simm.s32 $0x80;
	[sflag:s31] =	ssyncset.done $0x0  }
0x21: {  	s12 =	simm.s32 $0x13BB8;
	s29 =	simm.s32 $0x13C38;
	[sflag:s31] =	ssyncadd.s32 $0xFFFFFF80  }
0x22: {  	[tilespmem:s29], [sflag:$0x6] =	stream.indirect.gather [spmem:s2], $0x80, s12, s11, $0xb8;
	[tilespmem:$0x1B8B8] =	vst v63  }
0x23: {  	s29 =	simm.s32 $0x3B8  }
.LBB2_6:
0x24: {  	_ =	swait.ge [sflag:s28], $0xBB8  }
0x25: {  	[sflag:s28] =	ssyncset.done $0x0  }
0x26: {  	s11 =	simm.s32 @p0 $0x6;
	[sflag:s28] =	ssyncadd.s32 $0xFFFFF448  }
0x27: {  	[tilespmem:s1], [sflag:$0x3] =	stream.indirect.gather [spmem:s2], $0x80, s29, s0, $0xb8;
	[tilespmem:$0x1B8B8] =	vst v63  }
0x28: {  	_ =	swait.ge @p0 [sflag:s11], $0x3C00  }
0x29: {  	[sflag:s11] =	ssyncset.done @p0 $0x0  }
0x2a: {  	s12 =	simm.s32 @p0 $0x17CB8;
	[sflag:s11] =	ssyncadd.s32 @p0 $0xFFFFC400;
	s11 =	simm.s32 @p0 $0x0  }
0x2b: {  	[hbm4b:s8+s11] =	stream.linear.scatter @p0 [tilespmem:s12], [sflag:$0xA], $0x3C00, $0x38;
	[tilespmem:$0x1B8B8] =	vst v63  }
0x2c: {  	s11 =	simm.s32 @!p0 $0x6  }
0x2d: {  	_ =	swait.ge @!p0 [sflag:s11], $0x4000  }
0x2e: {  	[sflag:s11] =	ssyncset.done @!p0 $0x0  }
0x2f: {  	s12 =	simm.s32 @!p0 $0x13C38;
	[sflag:s11] =	ssyncadd.s32 @!p0 $0xFFFFC000;
	s11 =	simm.s32 @!p0 $0x0  }
0x30: {  	[hbm4b:s8+s11] =	stream.linear.scatter @!p0 [tilespmem:s12], [sflag:$0xA], $0x4000, $0x38;
	[tilespmem:$0x1B8B8] =	vst v63  }
0x31: {  	s12 =	simm.s32 $0x480  }
0x32: {  	[tilespmem:s7], [sflag:$0x4] =	stream.indirect.gather [spmem:s2], $0x80, s12, s0, $0xb8;
	[tilespmem:$0x1B8B8] =	vst v63  }
0x33: {  	_ =	swait.ge [sflag:s25], $0x6400  }
0x34: {  	[sflag:s25] =	ssyncset.done $0x0  }
0x35: {  	s12 =	rddreg [dreg:$0x8];
	[sflag:s25] =	ssyncadd.s32 $0xFFFF9C00  }
0x36: {  	[hbm4b:s12+s3] =	stream.linear.scatter [tilespmem:s1], [sflag:$0x7], $0x6400, $0x38;
	[tilespmem:$0x1B8B8] =	vst v63  }
0x37: {  	s12 =	simm.s32 $0x548  }
0x38: {  	[tilespmem:s6], [sflag:$0x5] =	stream.indirect.gather [spmem:s2], $0x80, s12, s0, $0xb8;
	[tilespmem:$0x1B8B8] =	vst v63  }
0x39: {  	_ =	swait.ge [sflag:s26], $0x6400  }
0x3a: {  	[sflag:s26] =	ssyncset.done $0x0  }
0x3b: {  	s12 =	rddreg [dreg:$0x9];
	[sflag:s26] =	ssyncadd.s32 $0xFFFF9C00  }
0x3c: {  	[hbm4b:s12+s3] =	stream.linear.scatter [tilespmem:s7], [sflag:$0x8], $0x6400, $0x38;
	[tilespmem:$0x1B8B8] =	vst v63  }
0x3d: {  	_ =	swait.ge [sflag:s30], $0x6400  }
0x3e: {  	[sflag:s30] =	ssyncset.done $0x0  }
0x3f: {  	s12 =	simm.s32 $0x610;
	[sflag:s30] =	ssyncadd.s32 $0xFFFF9C00  }
0x40: {  	[tilespmem:s1], [sflag:$0x3] =	stream.indirect.gather [spmem:s2], $0x80, s12, s0, $0xb8;
	[tilespmem:$0x1B8B8] =	vst v63  }
0x41: {  	_ =	swait.ge [sflag:s5], $0x6400  }
0x42: {  	[sflag:s5] =	ssyncset.done $0x0  }
0x43: {  	s12 =	rddreg [dreg:$0xa];
	[sflag:s5] =	ssyncadd.s32 $0xFFFF9C00  }
0x44: {  	[hbm4b:s12+s3] =	stream.linear.scatter [tilespmem:s6], [sflag:$0x9], $0x6400, $0x38;
	[tilespmem:$0x1B8B8] =	vst v63  }
0x45: {  	_ =	swait.ge [sflag:s9], $0x6400  }
0x46: {  	[sflag:s9] =	ssyncset.done $0x0  }
0x47: {  	s12 =	simm.s32 $0x6D8;
	[sflag:s9] =	ssyncadd.s32 $0xFFFF9C00  }
0x48: {  	[tilespmem:s7], [sflag:$0x4] =	stream.indirect.gather [spmem:s2], $0x80, s12, s0, $0xb8;
	[tilespmem:$0x1B8B8] =	vst v63  }
0x49: {  	_ =	swait.ge [sflag:s25], $0x6400  }
0x4a: {  	[sflag:s25] =	ssyncset.done $0x0  }
0x4b: {  	s12 =	rddreg [dreg:$0xb];
	[sflag:s25] =	ssyncadd.s32 $0xFFFF9C00  }
0x4c: {  	[hbm4b:s12+s3] =	stream.linear.scatter [tilespmem:s1], [sflag:$0x7], $0x6400, $0x38;
	[tilespmem:$0x1B8B8] =	vst v63  }
0x4d: {  	_ =	swait.ge [sflag:s10], $0x6400  }
0x4e: {  	[sflag:s10] =	ssyncset.done $0x0  }
0x4f: {  	s12 =	simm.s32 $0x7A0;
	[sflag:s10] =	ssyncadd.s32 $0xFFFF9C00  }
0x50: {  	[tilespmem:s6], [sflag:$0x5] =	stream.indirect.gather [spmem:s2], $0x80, s12, s0, $0xb8;
	[tilespmem:$0x1B8B8] =	vst v63  }
0x51: {  	_ =	swait.ge [sflag:s26], $0x6400  }
0x52: {  	[sflag:s26] =	ssyncset.done $0x0  }
0x53: {  	[sflag:s26] =	ssyncadd.s32 $0xFFFF9C00  }
0x54: {  	[hbm4b:s13+s3] =	stream.linear.scatter [tilespmem:s7], [sflag:$0x8], $0x6400, $0x38;
	[tilespmem:$0x1B8B8] =	vst v63  }
0x55: {  	_ =	swait.ge [sflag:s30], $0x6400  }
0x56: {  	[sflag:s30] =	ssyncset.done $0x0  }
0x57: {  	s12 =	simm.s32 $0x868;
	[sflag:s30] =	ssyncadd.s32 $0xFFFF9C00  }
0x58: {  	[tilespmem:s1], [sflag:$0x3] =	stream.indirect.gather [spmem:s2], $0x80, s12, s0, $0xb8;
	[tilespmem:$0x1B8B8] =	vst v63  }
0x59: {  	_ =	swait.ge [sflag:s5], $0x6400  }
0x5a: {  	[sflag:s5] =	ssyncset.done $0x0  }
0x5b: {  	[sflag:s5] =	ssyncadd.s32 $0xFFFF9C00  }
0x5c: {  	[hbm4b:s14+s3] =	stream.linear.scatter [tilespmem:s6], [sflag:$0x9], $0x6400, $0x38;
	[tilespmem:$0x1B8B8] =	vst v63  }
0x5d: {  	_ =	swait.ge [sflag:s9], $0x6400  }
0x5e: {  	[sflag:s9] =	ssyncset.done $0x0  }
0x5f: {  	s12 =	simm.s32 $0x930;
	[sflag:s9] =	ssyncadd.s32 $0xFFFF9C00  }
0x60: {  	[tilespmem:s7], [sflag:$0x4] =	stream.indirect.gather [spmem:s2], $0x80, s12, s0, $0xb8;
	[tilespmem:$0x1B8B8] =	vst v63  }
0x61: {  	_ =	swait.ge [sflag:s25], $0x6400  }
0x62: {  	[sflag:s25] =	ssyncset.done $0x0  }
0x63: {  	[sflag:s25] =	ssyncadd.s32 $0xFFFF9C00  }
0x64: {  	[hbm4b:s15+s3] =	stream.linear.scatter [tilespmem:s1], [sflag:$0x7], $0x6400, $0x38;
	[tilespmem:$0x1B8B8] =	vst v63  }
0x65: {  	_ =	swait.ge [sflag:s10], $0x6400  }
0x66: {  	[sflag:s10] =	ssyncset.done $0x0  }
0x67: {  	s12 =	simm.s32 $0x9F8;
	[sflag:s10] =	ssyncadd.s32 $0xFFFF9C00  }
0x68: {  	[tilespmem:s6], [sflag:$0x5] =	stream.indirect.gather [spmem:s2], $0x80, s12, s0, $0xb8;
	[tilespmem:$0x1B8B8] =	vst v63  }
0x69: {  	_ =	swait.ge [sflag:s26], $0x6400  }
0x6a: {  	[sflag:s26] =	ssyncset.done $0x0  }
0x6b: {  	[sflag:s26] =	ssyncadd.s32 $0xFFFF9C00  }
0x6c: {  	[hbm4b:s16+s3] =	stream.linear.scatter [tilespmem:s7], [sflag:$0x8], $0x6400, $0x38;
	[tilespmem:$0x1B8B8] =	vst v63  }
0x6d: {  	_ =	swait.ge [sflag:s30], $0x6400  }
0x6e: {  	[sflag:s30] =	ssyncset.done $0x0  }
0x6f: {  	s12 =	simm.s32 $0xAC0;
	[sflag:s30] =	ssyncadd.s32 $0xFFFF9C00  }
0x70: {  	[tilespmem:s1], [sflag:$0x3] =	stream.indirect.gather [spmem:s2], $0x80, s12, s0, $0xb8;
	[tilespmem:$0x1B8B8] =	vst v63  }
0x71: {  	_ =	swait.ge [sflag:s5], $0x6400  }
0x72: {  	[sflag:s5] =	ssyncset.done $0x0  }
0x73: {  	[sflag:s5] =	ssyncadd.s32 $0xFFFF9C00  }
0x74: {  	[hbm4b:s17+s3] =	stream.linear.scatter [tilespmem:s6], [sflag:$0x9], $0x6400, $0x38;
	[tilespmem:$0x1B8B8] =	vst v63  }
0x75: {  	_ =	swait.ge [sflag:s9], $0x6400  }
0x76: {  	[sflag:s9] =	ssyncset.done $0x0  }
0x77: {  	s12 =	simm.s32 $0xB88;
	[sflag:s9] =	ssyncadd.s32 $0xFFFF9C00  }
0x78: {  	[tilespmem:s7], [sflag:$0x4] =	stream.indirect.gather [spmem:s2], $0x80, s12, s0, $0xb8;
	[tilespmem:$0x1B8B8] =	vst v63  }
0x79: {  	_ =	swait.ge [sflag:s25], $0x6400  }
0x7a: {  	[sflag:s25] =	ssyncset.done $0x0  }
0x7b: {  	[sflag:s25] =	ssyncadd.s32 $0xFFFF9C00  }
0x7c: {  	[hbm4b:s18+s3] =	stream.linear.scatter [tilespmem:s1], [sflag:$0x7], $0x6400, $0x38;
	[tilespmem:$0x1B8B8] =	vst v63  }
0x7d: {  	_ =	swait.ge [sflag:s10], $0x6400  }
0x7e: {  	[sflag:s10] =	ssyncset.done $0x0  }
0x7f: {  	s12 =	simm.s32 $0xC50;
	[sflag:s10] =	ssyncadd.s32 $0xFFFF9C00  }
0x80: {  	[tilespmem:s6], [sflag:$0x5] =	stream.indirect.gather [spmem:s2], $0x80, s12, s0, $0xb8;
	[tilespmem:$0x1B8B8] =	vst v63  }
0x81: {  	_ =	swait.ge [sflag:s26], $0x6400  }
0x82: {  	[sflag:s26] =	ssyncset.done $0x0  }
0x83: {  	[sflag:s26] =	ssyncadd.s32 $0xFFFF9C00  }
0x84: {  	[hbm4b:s19+s3] =	stream.linear.scatter [tilespmem:s7], [sflag:$0x8], $0x6400, $0x38;
	[tilespmem:$0x1B8B8] =	vst v63  }
0x85: {  	_ =	swait.ge [sflag:s30], $0x6400  }
0x86: {  	[sflag:s30] =	ssyncset.done $0x0  }
0x87: {  	s12 =	simm.s32 $0xD18;
	[sflag:s30] =	ssyncadd.s32 $0xFFFF9C00  }
0x88: {  	[tilespmem:s1], [sflag:$0x3] =	stream.indirect.gather [spmem:s2], $0x80, s12, s0, $0xb8;
	[tilespmem:$0x1B8B8] =	vst v63  }
0x89: {  	_ =	swait.ge [sflag:s5], $0x6400  }
0x8a: {  	[sflag:s5] =	ssyncset.done $0x0  }
0x8b: {  	[sflag:s5] =	ssyncadd.s32 $0xFFFF9C00  }
0x8c: {  	[hbm4b:s20+s3] =	stream.linear.scatter [tilespmem:s6], [sflag:$0x9], $0x6400, $0x38;
	[tilespmem:$0x1B8B8] =	vst v63  }
0x8d: {  	_ =	swait.ge [sflag:s9], $0x6400  }
0x8e: {  	[sflag:s9] =	ssyncset.done $0x0  }
0x8f: {  	s12 =	simm.s32 $0xDE0;
	[sflag:s9] =	ssyncadd.s32 $0xFFFF9C00  }
0x90: {  	[tilespmem:s7], [sflag:$0x4] =	stream.indirect.gather [spmem:s2], $0x80, s12, s0, $0xb8;
	[tilespmem:$0x1B8B8] =	vst v63  }
0x91: {  	_ =	swait.ge [sflag:s25], $0x6400  }
0x92: {  	[sflag:s25] =	ssyncset.done $0x0  }
0x93: {  	[sflag:s25] =	ssyncadd.s32 $0xFFFF9C00  }
0x94: {  	[hbm4b:s21+s3] =	stream.linear.scatter [tilespmem:s1], [sflag:$0x7], $0x6400, $0x38;
	[tilespmem:$0x1B8B8] =	vst v63  }
0x95: {  	_ =	swait.ge [sflag:s10], $0x6400  }
0x96: {  	[sflag:s10] =	ssyncset.done $0x0  }
0x97: {  	s12 =	simm.s32 $0xEA8;
	[sflag:s10] =	ssyncadd.s32 $0xFFFF9C00  }
0x98: {  	[tilespmem:s6], [sflag:$0x5] =	stream.indirect.gather [spmem:s2], $0x80, s12, s0, $0xb8;
	[tilespmem:$0x1B8B8] =	vst v63  }
0x99: {  	_ =	swait.ge [sflag:s26], $0x6400  }
0x9a: {  	[sflag:s26] =	ssyncset.done $0x0  }
0x9b: {  	[sflag:s26] =	ssyncadd.s32 $0xFFFF9C00  }
0x9c: {  	[hbm4b:s22+s3] =	stream.linear.scatter [tilespmem:s7], [sflag:$0x8], $0x6400, $0x38;
	[tilespmem:$0x1B8B8] =	vst v63  }
0x9d: {  	_ =	swait.ge [sflag:s5], $0x6400  }
0x9e: {  	[sflag:s5] =	ssyncset.done $0x0  }
0x9f: {  	s11 =	simm.s32 @p0 $0xA;
	[sflag:s5] =	ssyncadd.s32 $0xFFFF9C00  }
0xa0: {  	[hbm4b:s23+s3] =	stream.linear.scatter [tilespmem:s6], [sflag:$0x9], $0x6400, $0x38;
	[tilespmem:$0x1B8B8] =	vst v63  }
0xa1: {  	_ =	swait.ge @p0 [sflag:s11], $0x3C00  }
0xa2: {  	[sflag:s11] =	ssyncset.done @p0 $0x0  }
0xa3: {  	[sflag:s11] =	ssyncadd.s32 @p0 $0xFFFFC400;
	s11 =	simm.s32 @!p0 $0xA  }
0xa4: {  	_ =	swait.ge @!p0 [sflag:s11], $0x4000  }
0xa5: {  	[sflag:s11] =	ssyncset.done @!p0 $0x0  }
0xa6: {  	[sflag:s11] =	ssyncadd.s32 @!p0 $0xFFFFC000  }
0xa7: {  	_ =	swait.ge [sflag:s30], $0x6400  }
0xa8: {  	[sflag:s30] =	ssyncset.done $0x0  }
0xa9: {  	s24 =	sadd.s32 $0xFFFFFFFF, s24;
	[sflag:s30] =	ssyncadd.s32 $0xFFFF9C00  }
0xaa: {  	p3 =	sne.s32 s24, $0x0;
	_ =	swait.ge [sflag:s9], $0x6400  }
.Ltmp1:
0xab: {  	[sflag:s9] =	ssyncset.done $0x0;
	(pc) =	sbr.rel @!p3 .LBB2_7-.Ltmp1, $4  }
0xac: {  	[sflag:s9] =	ssyncadd.s32 $0xFFFF9C00  }
0xad: {  	_ =	swait.ge [sflag:s10], $0x6400  }
0xae: {  	[sflag:s10] =	ssyncset.done $0x0  }
0xaf: {  	[sflag:s10] =	ssyncadd.s32 $0xFFFF9C00  }
.LBB2_1:
0xb0: {  	s11 =	simm.s32 @p0 $0x0;
	s12 =	simm.s32 @p0 $0x17C38  }
0xb1: {  	[tilespmem:s12], [sflag:$0x2] =	stream.linear.gather @p0 [hbm4b:s4+s11], $0x78, $0x38;
	[tilespmem:$0x1B8B8] =	vst v63  }
.Ltmp2:
0xb2: {  	_ = 	snop;
	(pc) =	sbr.rel @!p1 .LBB2_2-.Ltmp2, $4  }
0xb3: {  	s11 =	simm.s32 @!p0 $0x0;
	s12 =	simm.s32 @!p0 $0x13BB8  }
0xb4: {  	[tilespmem:s12], [sflag:$0x2] =	stream.linear.gather @!p0 [hbm4b:s4+s11], $0x80, $0x38;
	[tilespmem:$0x1B8B8] =	vst v63  }
0xb5: {  	s12 =	rddreg [dreg:$0x5]  }
0xb6: {  	[tilespmem:s29], [sflag:$0x1] =	stream.linear.gather [hbm4b:s12+s3], $0xBB8, $0x38;
	[tilespmem:$0x1B8B8] =	vst v63  }
0xb7: {  	s11 =	stileid.u32  }
0xb8: {  	s12 =	rddreg [dreg:$0x7];
	s29 =	smov.u32 s23;
	s23 =	smov.u32 s22  }
0xb9: {  	s22 =	smov.u32 s21;
	s21 =	smov.u32 s20;
	s20 =	smov.u32 s19  }
0xba: {  	s19 =	smov.u32 s18;
	s18 =	smov.u32 s17;
	s17 =	smov.u32 s16  }
0xbb: {  	s16 =	smov.u32 s15;
	s15 =	smov.u32 s14;
	s11 =	sshll.u32 s11, $0x6  }
0xbc: {  	s14 =	smov.u32 s13;
	s13 =	rddreg [dreg:$0xc];
	s11 =	sor.u32 $0x1C0B, s11  }
0xbd: {  	[spmem:s13], [sflag:s11] =	dma.local [hbm:s12], $0x80  }
0xbe: {  	s13 =	smov.u32 s14;
	s14 =	smov.u32 s15;
	s15 =	smov.u32 s16  }
0xbf: {  	s16 =	smov.u32 s17;
	s17 =	smov.u32 s18;
	s18 =	smov.u32 s19  }
0xc0: {  	s19 =	smov.u32 s20;
	s20 =	smov.u32 s21;
	s21 =	smov.u32 s22  }
0xc1: {  	s22 =	smov.u32 s23;
	s23 =	smov.u32 s29;
	s29 =	simm.s32 $0xB  }
.Ltmp3:
0xc2: {  	_ =	swait.ge [sflag:s29], $0x80;
	(pc) =	sbr.rel @p0 .LBB2_3-.Ltmp3, $4  }
.Ltmp4:
0xc3: {  	[sflag:s29] =	ssyncset.done $0x0;
	(pc) =	sbr.rel @!p0 .LBB2_5-.Ltmp4, $4  }
0xc4: {  	[sflag:s29] =	ssyncadd.s32 $0xFFFFFF80  }
0xc5: {  	[bflag:$0x0] =	sbarrier.arrive $0xFFFF  }
0xc6: {  	_ = 	snop  }
0xc7: {  	_ = 	snop  }
.LBB2_2:
0xc8: {  	s12 =	rddreg [dreg:$0x6]  }
0xc9: {  	s11 =	simm.s32 @!p2 $0x1F8B;
	s29 =	rddreg [dreg:$0xd]  }
0xca: {  	[spmem:s29], [sflag:s11] =	dma.local @!p2 [hbm:s12], $0x70  }
0xcb: {  	s11 =	simm.s32 @!p2 $0xB  }
0xcc: {  	_ =	swait.ge @!p2 [sflag:s11], $0x70  }
0xcd: {  	[sflag:s11] =	ssyncset.done @!p2 $0x0  }
0xce: {  	[sflag:s11] =	ssyncadd.s32 @!p2 $0xFFFFFF90  }
0xcf: {  	[bflag:$0x0] =	sbarrier.arrive $0xFFFF  }
.LBB2_3:
.Ltmp5:
0xd0: {  	_ =	swait.ge [sflag:s31], $0x78;
	(pc) =	sbr.rel .LBB2_6-.Ltmp5, $4  }
0xd1: {  	s11 =	simm.s32 $0x78;
	[sflag:s31] =	ssyncset.done $0x0  }
0xd2: {  	s12 =	simm.s32 $0x17C38;
	s29 =	simm.s32 $0x17CB8;
	[sflag:s31] =	ssyncadd.s32 $0xFFFFFF88  }
0xd3: {  	[tilespmem:s29], [sflag:$0x6] =	stream.indirect.gather [spmem:s2], $0x80, s12, s11, $0xb8;
	[tilespmem:$0x1B8B8] =	vst v63  }
0xd4: {  	s29 =	simm.s32 $0x3B8  }
.LBB2_7:
0xd5: {  	_ =	sfence.sel $0x180000  }
0xd6: {  	[bflag:$0x0] =	sbarrier.arrive $0xFFFF  }
0xd7: {  	_ =	strace $0x90000047  }
0xd8: {  	s0 =	stileid.u32;
	[bflag:$0x2] =	sbarrier.arrive $0xFFFF  }
0xd9: {  	p0 =	sne.s32 s0, $0x0;
	s0 =	rddreg [dreg:$0x4]  }
0xda: {  	s0 =	sadd.s32 @!p0 $0x100000, s0  }
0xdb: {  	[sflag:s0] =	ssyncadd.tile.s32 @!p0 $0x1;
	_ =	shalt  }
.Lfunc_end2:
_tile_overlayer_lowered:
.L_overlay_start_2:
0xdc: {  	(tag) =	ssettag $0x2  }
0xdd: {  	s0 =	rddreg [dreg:$0x0];
	s2 =	stileid.u32  }
0xde: {  	s1 =	rddreg [dreg:$0x1];
	p0 =	sne.s32 s2, $0x0  }
0xdf: {  	s3 =	rddreg [dreg:$0x2];
	[bflag:$0x3] =	sbarrier.arrive $0xFFFF;
	s2 =	simm.s32 @!p0 $0x1C0B  }
0xe0: {  	[timem:s3], [sflag:s2] =	dma.local @!p0 [hbm:s0], s1  }
0xe1: {  	s0 =	simm.s32 @!p0 $0xB  }
0xe2: {  	_ =	swait.ge @!p0 [sflag:s0], s1  }
0xe3: {  	s1 =	ssub.s32 @!p0 $0x0, s1;
	[sflag:s0] =	ssyncset.done @!p0 $0x0  }
0xe4: {  	[sflag:s0] =	ssyncadd.s32 @!p0 s1  }
0xe5: {  	[bflag:$0x3] =	sbarrier.arrive $0xFFFF  }
0xe6: {  	_ =	shalt  }

</sc_bundles>
